<compile_context>
chip_gen: v7x
topology: tpu7x:2x2x1
jax: 0.10.2.dev20260603
libtpu: 0.0.44.dev20260713+nightly
codegen_flags: <defaults>
</compile_context>

<pallas_src>
import functools

import jax
import jax.numpy as jnp
from jax import lax
from jax.experimental import pallas as pl
from jax.experimental.pallas import tpu as pltpu
from jax.experimental.pallas import tpu_sc as plsc

D = 32
H = 128
B = 16384
N = 100000
NC, NS = 2, 16
NW = NC * NS
BPW = B // NW
KCH = 128
NCH = BPW // KCH
BLK = 2048
OWN = 3136

_f32 = jnp.float32
_i32 = jnp.int32
_SC_PARAMS = pltpu.CompilerParams(use_tc_tiling_on_sc=False,
                                  needs_layout_passes=False)


def _wid():
    return lax.axis_index("s") * NC + lax.axis_index("c")


@functools.cache
def _sc_kernels():
    mesh = plsc.VectorSubcoreMesh(core_axis_name="c", subcore_axis_name="s",
                                  num_cores=NC, num_subcores=NS)
    return _make_sc_gather(mesh), _make_sc_scatter(mesh)


def _make_sc_gather(mesh):
  @functools.partial(
    pl.kernel,
    out_type=(
        jax.ShapeDtypeStruct((B, H), _f32),
        jax.ShapeDtypeStruct((B, H), _f32),
        jax.ShapeDtypeStruct((NW * OWN,), _i32),
    ),
    mesh=mesh,
    compiler_params=_SC_PARAMS,
    scratch_types=[
        pltpu.VMEM((B,), _i32),
        pltpu.VMEM((OWN,), _i32),
        pltpu.VMEM((BPW, D), _f32),
        pltpu.VMEM((BPW, D), _f32),
        pltpu.VMEM((BPW, H), _f32),
        pltpu.SemaphoreType.DMA,
    ],
  )
  def sc_gather(idx1_hbm, lt_ref, lx_ref, h_ref,
                pk_o, h_o, w_o, ida_v, wloc, lt_v, lx_v, h_v, sem):
    wid = _wid()
    base = wid * BPW
    pltpu.sync_copy(idx1_hbm, ida_v)
    copies = []
    for j in range(NCH):
        rows = pl.ds(j * KCH, KCH)
        myidx = ida_v.at[pl.ds(base + j * KCH, KCH)]
        copies.append(pltpu.async_copy(lt_ref.at[myidx], lt_v.at[rows], sem))
        copies.append(pltpu.async_copy(lx_ref.at[myidx], lx_v.at[rows], sem))
        copies.append(pltpu.async_copy(h_ref.at[myidx], h_v.at[rows], sem))
    lane = lax.iota(_i32, 16)
    nxt = jnp.minimum(lane + 1, 15)
    row0 = wid * OWN

    @pl.loop(0, B // 16)
    def _(c):
        iv = ida_v[pl.ds(c * 16, 16)]
        key = iv * 16384 + (c * 16 + lane)
        ks = jnp.sort(key)
        sidx = ks >> 14
        sb = ks & 16383
        nxt_ks = lax.gather(
            ks, nxt[:, None],
            lax.GatherDimensionNumbers(offset_dims=(),
                                       collapsed_slice_dims=(0,),
                                       start_index_map=(0,)),
            slice_sizes=(1,),
            mode=lax.GatherScatterMode.PROMISE_IN_BOUNDS)
        nxt_sidx = nxt_ks >> 14
        last = jnp.logical_or(sidx != nxt_sidx, lane == 15)
        loc = sidx - row0
        own = jnp.logical_and(loc >= 0, loc < OWN)
        mk = jnp.logical_and(last, own)
        locc = jnp.clip(loc, 0, OWN - 1)
        plsc.store_scatter(wloc, [locc], sb, mask=mk)

    for c in copies:
        c.wait()
    obs = pl.ds(base, BPW)
    pltpu.sync_copy(lt_v, pk_o.at[obs, pl.ds(0, D)])
    pltpu.sync_copy(lx_v, pk_o.at[obs, pl.ds(D, D)])
    pltpu.sync_copy(h_v, h_o.at[obs])
    pltpu.sync_copy(wloc, w_o.at[pl.ds(row0, OWN)])

  return sc_gather


def _make_sc_scatter(mesh):
  @functools.partial(
    pl.kernel,
    out_type=(),
    mesh=mesh,
    compiler_params=_SC_PARAMS,
    scratch_types=[
        pltpu.VMEM((NCH, KCH), _i32),
        pltpu.VMEM((NCH, KCH), _i32),
        pltpu.VMEM((BPW, H), _f32),
        pltpu.VMEM((BPW, D), _f32),
        pltpu.VMEM((BPW, D), _f32),
        pltpu.SemaphoreType.DMA,
    ],
  )
  def sc_scatter(idx_hbm, wmem_hbm, pk2_hbm, hupd_hbm,
                 h_ref, lx_ref, lt_ref,
                 idx_v, w_v, buf_v, lt_s, lx_s, sem):
    wid = _wid()
    base = wid * BPW
    pltpu.sync_copy(idx_hbm.at[pl.ds(wid * NCH, NCH)], idx_v)
    wcopies = [
        pltpu.async_copy(wmem_hbm.at[idx_v.at[j]], w_v.at[j], sem)
        for j in range(NCH)
    ]
    for c in wcopies:
        c.wait()
    pkcopies = [
        pltpu.async_copy(pk2_hbm.at[w_v.at[j]],
                         buf_v.at[pl.ds(j * KCH, KCH)], sem)
        for j in range(NCH)
    ]
    for c in pkcopies:
        c.wait()

    @pl.loop(0, BPW)
    def _(r):
        for c in range(D // 16):
            lt_s[r, pl.ds(c * 16, 16)] = buf_v[r, pl.ds(c * 16, 16)]
            lx_s[r, pl.ds(c * 16, 16)] = buf_v[r, pl.ds(D + c * 16, 16)]

    hcopies = [
        pltpu.async_copy(hupd_hbm.at[w_v.at[j]],
                         buf_v.at[pl.ds(j * KCH, KCH)], sem)
        for j in range(NCH)
    ]
    for c in hcopies:
        c.wait()
    scatters = []
    for j in range(NCH):
        rows = pl.ds(j * KCH, KCH)
        scatters.append(pltpu.async_copy(buf_v.at[rows], h_ref.at[idx_v.at[j]], sem))
        scatters.append(pltpu.async_copy(lx_s.at[rows], lx_ref.at[idx_v.at[j]], sem))
        scatters.append(pltpu.async_copy(lt_s.at[rows], lt_ref.at[idx_v.at[j]], sem))
    for c in scatters:
        c.wait()

  return sc_scatter


def _tc_stats_body(x_ref, m_ref, sx_o, sm_o):
    i = pl.program_id(0)
    psx = jnp.sum(x_ref[...], axis=0, keepdims=True)
    psm = jnp.sum(m_ref[...], axis=0, keepdims=True)

    @pl.when(i == 0)
    def _():
        sx_o[...] = psx
        sm_o[...] = psm

    @pl.when(i != 0)
    def _():
        sx_o[...] += psx
        sm_o[...] += psm


_TC_STATS_KW = dict(
    grid=(B // BLK,),
    in_specs=[
        pl.BlockSpec((BLK, D), lambda i: (i, 0)),
        pl.BlockSpec((BLK, D), lambda i: (i, 0)),
    ],
    out_specs=[
        pl.BlockSpec((1, D), lambda i: (0, 0)),
        pl.BlockSpec((1, D), lambda i: (0, 0)),
    ],
    out_shape=[
        jax.ShapeDtypeStruct((1, D), _f32),
        jax.ShapeDtypeStruct((1, D), _f32),
    ],
)
_tc_stats = pl.pallas_call(_tc_stats_body, **_TC_STATS_KW)


def _tc_main_body(ct_ref, pk_ref, x_ref, m_ref, h0_ref, sx_ref, sm_ref,
                  wgx_ref, wgh_ref,
                  wzx_ref, wzm_ref, uz_ref, bz_ref,
                  wrx_ref, wrm_ref, ur_ref, br_ref,
                  wcx_ref, wcm_ref, uc_ref, bc_ref,
                  pk2_o, hupd_o):
    ct = ct_ref[0, 0]
    pk = pk_ref[...]
    lt = pk[:, :D]
    lx = pk[:, D:2 * D]
    m = m_ref[...]
    x = x_ref[...]
    one_m = 1.0 - m
    lxn = lx * one_m + x * m
    ltn = lt * one_m + ct * m
    itv = ct - lt

    def mm(a, w):
        return jnp.dot(a, w[...], preferred_element_type=_f32,
                       precision=lax.Precision.HIGHEST)

    gx = jnp.exp(-jnp.maximum(mm(itv, wgx_ref), 0.0))
    gh = jnp.exp(-jnp.maximum(mm(itv, wgh_ref), 0.0))
    pk2_o[...] = jnp.concatenate([ltn, lxn, gx, gx], axis=1)
    mean_x = sx_ref[...] / (sm_ref[...] + B * 1e-6)
    x_hat = m * x + one_m * gx * lxn + one_m * (1.0 - gx) * mean_x
    h = gh * h0_ref[...]
    z = jax.nn.sigmoid(mm(x_hat, wzx_ref) + mm(m, wzm_ref) + mm(h, uz_ref)
                       + bz_ref[...])
    r = jax.nn.sigmoid(mm(x_hat, wrx_ref) + mm(m, wrm_ref) + mm(h, ur_ref)
                       + br_ref[...])
    h_tilde = jnp.tanh(mm(x_hat, wcx_ref) + mm(m, wcm_ref) + mm(r * h, uc_ref)
                       + bc_ref[...])
    hupd_o[...] = (1.0 - z) * h + z * h_tilde


_TC_MAIN_KW = dict(
    grid=(B // BLK,),
    in_specs=[
        pl.BlockSpec((1, 1), lambda i: (0, 0)),
        pl.BlockSpec((BLK, H), lambda i: (i, 0)),
        pl.BlockSpec((BLK, D), lambda i: (i, 0)),
        pl.BlockSpec((BLK, D), lambda i: (i, 0)),
        pl.BlockSpec((BLK, H), lambda i: (i, 0)),
        pl.BlockSpec((1, D), lambda i: (0, 0)),
        pl.BlockSpec((1, D), lambda i: (0, 0)),
        pl.BlockSpec((D, D), lambda i: (0, 0)),
        pl.BlockSpec((D, H), lambda i: (0, 0)),
    ] + [
        spec
        for _ in range(3)
        for spec in (
            pl.BlockSpec((D, H), lambda i: (0, 0)),
            pl.BlockSpec((D, H), lambda i: (0, 0)),
            pl.BlockSpec((H, H), lambda i: (0, 0)),
            pl.BlockSpec((1, H), lambda i: (0, 0)),
        )
    ],
    out_specs=[
        pl.BlockSpec((BLK, H), lambda i: (i, 0)),
        pl.BlockSpec((BLK, H), lambda i: (i, 0)),
    ],
    out_shape=[
        jax.ShapeDtypeStruct((B, H), _f32),
        jax.ShapeDtypeStruct((B, H), _f32),
    ],
)
_tc_main = pl.pallas_call(_tc_main_body, **_TC_MAIN_KW)


def kernel(current_time, mgn_h, X_obs, M_obs, i_obs, last_x, last_t,
           W_gx, W_gh, Wz, Uz, bz, Wr, Ur, br, Wc, Uc, bc):
    idx2d = i_obs.reshape(B // KCH, KCH)
    h_ref = jax.new_ref(mgn_h)
    lx_ref = jax.new_ref(last_x)
    lt_ref = jax.new_ref(last_t)

    sc_gather, sc_scatter = _sc_kernels()
    pk1, h0_g, w_mem = sc_gather(i_obs, lt_ref, lx_ref, h_ref)
    sx, sm = _tc_stats(X_obs, M_obs)
    pk2, h_upd = _tc_main(
        current_time.reshape(1, 1), pk1, X_obs, M_obs, h0_g, sx, sm,
        W_gx, W_gh,
        Wz[:D], Wz[D:], Uz, bz.reshape(1, H),
        Wr[:D], Wr[D:], Ur, br.reshape(1, H),
        Wc[:D], Wc[D:], Uc, bc.reshape(1, H))
    sc_scatter(idx2d, w_mem, pk2, h_upd, h_ref, lx_ref, lt_ref)
    return h_ref[...], lx_ref[...], lt_ref[...]

# --- scband reference (transcript-rebuilt; emitter-appended) ---
"""Pipeline reference for scband-mgn-gru-d-29961691857384 (READ-ONLY COPY).

The authoritative reference and input builder live on the scoring server;
editing this copy changes nothing except your own understanding.
"""

import jax, jax.numpy as jnp
import numpy as np

INPUT_SIZE = 32
N_DIM = 4
HIDDEN = INPUT_SIZE * N_DIM  # 128
N_MEM = 100000
B = 16384


def setup_inputs(seed: int = 0) -> dict:
    key = jax.random.key(seed)
    ks = jax.random.split(key, 20)
    current_time = jax.random.uniform(ks[0], (1,), dtype=jnp.float32) + 1.0
    mgn_h = jax.random.normal(ks[1], (N_MEM, HIDDEN), dtype=jnp.float32)
    X_obs = jax.random.normal(ks[2], (B, INPUT_SIZE), dtype=jnp.float32)
    M_obs = jax.random.randint(ks[3], (B, INPUT_SIZE), 0, 2).astype(jnp.float32)
    i_obs = jax.random.randint(ks[4], (B,), 0, N_MEM, dtype=jnp.int32)
    last_x = jax.random.normal(ks[5], (N_MEM, INPUT_SIZE), dtype=jnp.float32)
    last_t = jax.random.uniform(ks[6], (N_MEM, INPUT_SIZE), dtype=jnp.float32)
    s1 = 1.0 / np.sqrt(INPUT_SIZE)
    s2 = 1.0 / np.sqrt(HIDDEN)
    s3 = 1.0 / np.sqrt(2 * INPUT_SIZE)
    W_gx = jax.random.uniform(ks[7], (INPUT_SIZE, INPUT_SIZE), jnp.float32, -s1, s1)
    W_gh = jax.random.uniform(ks[8], (INPUT_SIZE, HIDDEN), jnp.float32, -s1, s1)
    Wz = jax.random.uniform(ks[9], (2 * INPUT_SIZE, HIDDEN), jnp.float32, -s3, s3)
    Uz = jax.random.uniform(ks[10], (HIDDEN, HIDDEN), jnp.float32, -s2, s2)
    bz = jnp.zeros((HIDDEN,), jnp.float32)
    Wr = jax.random.uniform(ks[11], (2 * INPUT_SIZE, HIDDEN), jnp.float32, -s3, s3)
    Ur = jax.random.uniform(ks[12], (HIDDEN, HIDDEN), jnp.float32, -s2, s2)
    br = jnp.zeros((HIDDEN,), jnp.float32)
    Wc = jax.random.uniform(ks[13], (2 * INPUT_SIZE, HIDDEN), jnp.float32, -s3, s3)
    Uc = jax.random.uniform(ks[14], (HIDDEN, HIDDEN), jnp.float32, -s2, s2)
    bc = jnp.zeros((HIDDEN,), jnp.float32)
    return {"current_time": current_time, "mgn_h": mgn_h, "X_obs": X_obs,
            "M_obs": M_obs, "i_obs": i_obs, "last_x": last_x, "last_t": last_t,
            "W_gx": W_gx, "W_gh": W_gh, "Wz": Wz, "Uz": Uz, "bz": bz,
            "Wr": Wr, "Ur": Ur, "br": br, "Wc": Wc, "Uc": Uc, "bc": bc}


def gru_d_cell(h, x_hat, m, gamma_h, Wz, Uz, bz, Wr, Ur, br, Wc, Uc, bc):
    # GRU-D cell: decay hidden state, then gated GRU update on [x_hat, mask].
    h = gamma_h * h
    inp = jnp.concatenate([x_hat, m], axis=-1)
    z = jax.nn.sigmoid(inp @ Wz + h @ Uz + bz)
    r = jax.nn.sigmoid(inp @ Wr + h @ Ur + br)
    h_tilde = jnp.tanh(inp @ Wc + (r * h) @ Uc + bc)
    return (1.0 - z) * h + z * h_tilde


def reference(current_time, mgn_h, X_obs, M_obs, i_obs, last_x, last_t,
              W_gx, W_gh, Wz, Uz, bz, Wr, Ur, br, Wc, Uc, bc):
    # scatter-overwrite last observed values
    last_x = last_x.at[i_obs].set(last_x[i_obs] * (1.0 - M_obs) + X_obs * M_obs)
    mean_x = jnp.sum(X_obs, axis=0, keepdims=True) / jnp.sum(M_obs + 1e-06, axis=0, keepdims=True)
    interval = current_time - last_t
    last_t = last_t.at[i_obs].set(last_t[i_obs] * (1.0 - M_obs) + current_time * M_obs)
    gamma_x = jnp.exp(-jnp.maximum(0.0, interval @ W_gx))
    gamma_h = jnp.exp(-jnp.maximum(0.0, interval @ W_gh))
    gx = gamma_x[i_obs]
    X_hat = M_obs * X_obs + (1.0 - M_obs) * gx * last_x[i_obs] + (1.0 - M_obs) * (1.0 - gx) * mean_x
    h_upd = gru_d_cell(mgn_h[i_obs], X_hat, M_obs, gamma_h[i_obs], Wz, Uz, bz, Wr, Ur, br, Wc, Uc, bc)
    mgn_h = mgn_h.at[i_obs].set(h_upd)
    return (mgn_h, last_x, last_t)

if __name__ == "__main__":
    import jax
    _d = setup_inputs()
    print(jax.jit(kernel)(*tuple(_d.values())))

</pallas_src>

<mosaic_0001>
#map = affine_map<(d0, d1) -> (0, 0)>
#map1 = affine_map<(d0, d1) -> (0)>
module attributes {stable_mosaic.version = 14 : i64} {
  func.func @new_body(%arg0: i32, %arg1: i32, %arg2: memref<128x128xi32, #tpu.memory_space<hbm>>, %arg3: memref<100352xi32, #tpu.memory_space<hbm>>, %arg4: memref<16384x128xf32, #tpu.memory_space<hbm>>, %arg5: memref<16384x128xf32, #tpu.memory_space<hbm>>, %arg6: memref<100000x128xf32, #tpu.memory_space<hbm>>, %arg7: memref<100000x32xf32, #tpu.memory_space<hbm>>, %arg8: memref<100000x32xf32, #tpu.memory_space<hbm>>, %arg9: memref<100000x128xf32, #tpu.memory_space<hbm>>, %arg10: memref<100000x32xf32, #tpu.memory_space<hbm>>, %arg11: memref<100000x32xf32, #tpu.memory_space<hbm>>, %arg12: memref<4x128xi32, #tpu.memory_space<vmem>>, %arg13: memref<4x128xi32, #tpu.memory_space<vmem>>, %arg14: memref<512x128xf32, #tpu.memory_space<vmem>>, %arg15: memref<512x32xf32, #tpu.memory_space<vmem>>, %arg16: memref<512x32xf32, #tpu.memory_space<vmem>>, %arg17: memref<!tpu.dma_semaphore, #tpu.memory_space<semaphore_mem>>) attributes {dimension_semantics = [#tpu.dimension_semantics<core_parallel>, #tpu.dimension_semantics<subcore_parallel>], iteration_bounds = array<i64: 2, 16>, scalar_prefetch = 0 : i64, scratch_operands = 6 : i64, tpu.core_type = #tpu.core_type<sc_vector_subcore>, window_params = [{transform_indices = #map}, {transform_indices = #map1}, {transform_indices = #map}, {transform_indices = #map}, {transform_indices = #map}, {transform_indices = #map}, {transform_indices = #map}, {transform_indices = #map}, {transform_indices = #map}, {transform_indices = #map}]} {
    %mul3A = arith.constant 2 : i32
    %mul3A_0 = arith.muli %arg1, %mul3A : i32
    %add3A = arith.addi %mul3A_0, %arg0 : i32
    %mul3A_1 = arith.constant 512 : i32
    %mul3A_2 = arith.muli %add3A, %mul3A_1 : i32
    %mul3A_3 = arith.constant 4 : i32
    %mul3A_4 = arith.muli %add3A, %mul3A_3 : i32
    "tpu.region"() ({
      %run_scoped3A = tpu.sem_alloc : memref<!tpu.dma_semaphore, #tpu.memory_space<semaphore_mem>>
      %dma_start3A_487 = arith.constant 0 : i32
      %dma_start3A_488 = tpu.memref_slice %arg2[%mul3A_4, %dma_start3A_487] : memref<128x128xi32, #tpu.memory_space<hbm>> -> memref<4x128xi32, #tpu.memory_space<hbm>>
      %dma_start3A_489 = arith.constant 0 : i32
      %dma_start3A_490 = tpu.memref_slice %arg2[%mul3A_4, %dma_start3A_489] : memref<128x128xi32, #tpu.memory_space<hbm>> -> memref<4x128xi32, #tpu.memory_space<hbm>>
      tpu.enqueue_dma source(%dma_start3A_490 : memref<4x128xi32, #tpu.memory_space<hbm>>) target(%arg12 : memref<4x128xi32, #tpu.memory_space<vmem>>) target_semaphore(%run_scoped3A : memref<!tpu.dma_semaphore, #tpu.memory_space<semaphore_mem>>)
      %dma_wait3A_491 = arith.constant 0 : i32
      %dma_wait3A_492 = tpu.memref_slice %arg2[%mul3A_4, %dma_wait3A_491] : memref<128x128xi32, #tpu.memory_space<hbm>> -> memref<4x128xi32, #tpu.memory_space<hbm>>
      %dma_wait3A_493 = arith.constant 0 : i32
      %dma_wait3A_494 = tpu.memref_slice %arg2[%mul3A_4, %dma_wait3A_493] : memref<128x128xi32, #tpu.memory_space<hbm>> -> memref<4x128xi32, #tpu.memory_space<hbm>>
      tpu.wait_dma2 semaphore(%run_scoped3A : memref<!tpu.dma_semaphore, #tpu.memory_space<semaphore_mem>>) src(%dma_wait3A_494 : memref<4x128xi32, #tpu.memory_space<hbm>>) dst(%arg12 : memref<4x128xi32, #tpu.memory_space<vmem>>)
      tpu.yield
    }) : () -> ()
    %dma_start3A = arith.constant 0 : i32
    %dma_start3A_5 = arith.constant 0 : i32
    %dma_start3A_6 = arith.constant 0 : i32
    %dma_start3A_7 = tpu.memref_slice %arg13[%dma_start3A_5, %dma_start3A_6] : memref<4x128xi32, #tpu.memory_space<vmem>> -> memref<1x128xi32, #tpu.memory_space<vmem>>
    %dma_start3A_8 = tpu.memref_squeeze %dma_start3A_7 : memref<1x128xi32, #tpu.memory_space<vmem>> -> memref<128xi32, #tpu.memory_space<vmem>>
    %dma_start3A_9 = arith.constant 0 : i32
    %dma_start3A_10 = tpu.memref_slice %arg12[%dma_start3A, %dma_start3A_9] : memref<4x128xi32, #tpu.memory_space<vmem>> -> memref<1x128xi32, #tpu.memory_space<vmem>>
    %dma_start3A_11 = tpu.memref_squeeze %dma_start3A_10 : memref<1x128xi32, #tpu.memory_space<vmem>> -> memref<128xi32, #tpu.memory_space<vmem>>
    %dma_start3A_12 = arith.constant 0 : i32
    %dma_start3A_13 = tpu.memref_slice %arg3[%dma_start3A_12] : memref<100352xi32, #tpu.memory_space<hbm>> -> memref<100352xi32, #tpu.memory_space<hbm>>
    tpu.enqueue_indirect_dma source(%dma_start3A_13 : memref<100352xi32, #tpu.memory_space<hbm>>) target(%dma_start3A_8 : memref<128xi32, #tpu.memory_space<vmem>>) offsets(%dma_start3A_11 : memref<128xi32, #tpu.memory_space<vmem>>) semaphore(%arg17 : memref<!tpu.dma_semaphore, #tpu.memory_space<semaphore_mem>>)
    %dma_start3A_14 = arith.constant 1 : i32
    %dma_start3A_15 = arith.constant 1 : i32
    %dma_start3A_16 = arith.constant 0 : i32
    %dma_start3A_17 = tpu.memref_slice %arg13[%dma_start3A_15, %dma_start3A_16] : memref<4x128xi32, #tpu.memory_space<vmem>> -> memref<1x128xi32, #tpu.memory_space<vmem>>
    %dma_start3A_18 = tpu.memref_squeeze %dma_start3A_17 : memref<1x128xi32, #tpu.memory_space<vmem>> -> memref<128xi32, #tpu.memory_space<vmem>>
    %dma_start3A_19 = arith.constant 0 : i32
    %dma_start3A_20 = tpu.memref_slice %arg12[%dma_start3A_14, %dma_start3A_19] : memref<4x128xi32, #tpu.memory_space<vmem>> -> memref<1x128xi32, #tpu.memory_space<vmem>>
    %dma_start3A_21 = tpu.memref_squeeze %dma_start3A_20 : memref<1x128xi32, #tpu.memory_space<vmem>> -> memref<128xi32, #tpu.memory_space<vmem>>
    %dma_start3A_22 = arith.constant 0 : i32
    %dma_start3A_23 = tpu.memref_slice %arg3[%dma_start3A_22] : memref<100352xi32, #tpu.memory_space<hbm>> -> memref<100352xi32, #tpu.memory_space<hbm>>
    tpu.enqueue_indirect_dma source(%dma_start3A_23 : memref<100352xi32, #tpu.memory_space<hbm>>) target(%dma_start3A_18 : memref<128xi32, #tpu.memory_space<vmem>>) offsets(%dma_start3A_21 : memref<128xi32, #tpu.memory_space<vmem>>) semaphore(%arg17 : memref<!tpu.dma_semaphore, #tpu.memory_space<semaphore_mem>>)
    %dma_start3A_24 = arith.constant 2 : i32
    %dma_start3A_25 = arith.constant 2 : i32
    %dma_start3A_26 = arith.constant 0 : i32
    %dma_start3A_27 = tpu.memref_slice %arg13[%dma_start3A_25, %dma_start3A_26] : memref<4x128xi32, #tpu.memory_space<vmem>> -> memref<1x128xi32, #tpu.memory_space<vmem>>
    %dma_start3A_28 = tpu.memref_squeeze %dma_start3A_27 : memref<1x128xi32, #tpu.memory_space<vmem>> -> memref<128xi32, #tpu.memory_space<vmem>>
    %dma_start3A_29 = arith.constant 0 : i32
    %dma_start3A_30 = tpu.memref_slice %arg12[%dma_start3A_24, %dma_start3A_29] : memref<4x128xi32, #tpu.memory_space<vmem>> -> memref<1x128xi32, #tpu.memory_space<vmem>>
    %dma_start3A_31 = tpu.memref_squeeze %dma_start3A_30 : memref<1x128xi32, #tpu.memory_space<vmem>> -> memref<128xi32, #tpu.memory_space<vmem>>
    %dma_start3A_32 = arith.constant 0 : i32
    %dma_start3A_33 = tpu.memref_slice %arg3[%dma_start3A_32] : memref<100352xi32, #tpu.memory_space<hbm>> -> memref<100352xi32, #tpu.memory_space<hbm>>
    tpu.enqueue_indirect_dma source(%dma_start3A_33 : memref<100352xi32, #tpu.memory_space<hbm>>) target(%dma_start3A_28 : memref<128xi32, #tpu.memory_space<vmem>>) offsets(%dma_start3A_31 : memref<128xi32, #tpu.memory_space<vmem>>) semaphore(%arg17 : memref<!tpu.dma_semaphore, #tpu.memory_space<semaphore_mem>>)
    %dma_start3A_34 = arith.constant 3 : i32
    %dma_start3A_35 = arith.constant 3 : i32
    %dma_start3A_36 = arith.constant 0 : i32
    %dma_start3A_37 = tpu.memref_slice %arg13[%dma_start3A_35, %dma_start3A_36] : memref<4x128xi32, #tpu.memory_space<vmem>> -> memref<1x128xi32, #tpu.memory_space<vmem>>
    %dma_start3A_38 = tpu.memref_squeeze %dma_start3A_37 : memref<1x128xi32, #tpu.memory_space<vmem>> -> memref<128xi32, #tpu.memory_space<vmem>>
    %dma_start3A_39 = arith.constant 0 : i32
    %dma_start3A_40 = tpu.memref_slice %arg12[%dma_start3A_34, %dma_start3A_39] : memref<4x128xi32, #tpu.memory_space<vmem>> -> memref<1x128xi32, #tpu.memory_space<vmem>>
    %dma_start3A_41 = tpu.memref_squeeze %dma_start3A_40 : memref<1x128xi32, #tpu.memory_space<vmem>> -> memref<128xi32, #tpu.memory_space<vmem>>
    %dma_start3A_42 = arith.constant 0 : i32
    %dma_start3A_43 = tpu.memref_slice %arg3[%dma_start3A_42] : memref<100352xi32, #tpu.memory_space<hbm>> -> memref<100352xi32, #tpu.memory_space<hbm>>
    tpu.enqueue_indirect_dma source(%dma_start3A_43 : memref<100352xi32, #tpu.memory_space<hbm>>) target(%dma_start3A_38 : memref<128xi32, #tpu.memory_space<vmem>>) offsets(%dma_start3A_41 : memref<128xi32, #tpu.memory_space<vmem>>) semaphore(%arg17 : memref<!tpu.dma_semaphore, #tpu.memory_space<semaphore_mem>>)
    %dma_wait3A = arith.constant 0 : i32
    %dma_wait3A_44 = arith.constant 0 : i32
    %dma_wait3A_45 = arith.constant 0 : i32
    %dma_wait3A_46 = tpu.memref_slice %arg13[%dma_wait3A_44, %dma_wait3A_45] : memref<4x128xi32, #tpu.memory_space<vmem>> -> memref<1x128xi32, #tpu.memory_space<vmem>>
    %dma_wait3A_47 = tpu.memref_squeeze %dma_wait3A_46 : memref<1x128xi32, #tpu.memory_space<vmem>> -> memref<128xi32, #tpu.memory_space<vmem>>
    %dma_wait3A_48 = arith.constant 0 : i32
    %dma_wait3A_49 = tpu.memref_slice %arg12[%dma_wait3A, %dma_wait3A_48] : memref<4x128xi32, #tpu.memory_space<vmem>> -> memref<1x128xi32, #tpu.memory_space<vmem>>
    %dma_wait3A_50 = tpu.memref_squeeze %dma_wait3A_49 : memref<1x128xi32, #tpu.memory_space<vmem>> -> memref<128xi32, #tpu.memory_space<vmem>>
    %dma_wait3A_51 = arith.constant 0 : i32
    %dma_wait3A_52 = tpu.memref_slice %arg3[%dma_wait3A_51] : memref<100352xi32, #tpu.memory_space<hbm>> -> memref<100352xi32, #tpu.memory_space<hbm>>
    tpu.wait_indirect_dma semaphore(%arg17 : memref<!tpu.dma_semaphore, #tpu.memory_space<semaphore_mem>>) src(%dma_wait3A_52 : memref<100352xi32, #tpu.memory_space<hbm>>) dst(%dma_wait3A_47 : memref<128xi32, #tpu.memory_space<vmem>>)
    %dma_wait3A_53 = arith.constant 1 : i32
    %dma_wait3A_54 = arith.constant 1 : i32
    %dma_wait3A_55 = arith.constant 0 : i32
    %dma_wait3A_56 = tpu.memref_slice %arg13[%dma_wait3A_54, %dma_wait3A_55] : memref<4x128xi32, #tpu.memory_space<vmem>> -> memref<1x128xi32, #tpu.memory_space<vmem>>
    %dma_wait3A_57 = tpu.memref_squeeze %dma_wait3A_56 : memref<1x128xi32, #tpu.memory_space<vmem>> -> memref<128xi32, #tpu.memory_space<vmem>>
    %dma_wait3A_58 = arith.constant 0 : i32
    %dma_wait3A_59 = tpu.memref_slice %arg12[%dma_wait3A_53, %dma_wait3A_58] : memref<4x128xi32, #tpu.memory_space<vmem>> -> memref<1x128xi32, #tpu.memory_space<vmem>>
    %dma_wait3A_60 = tpu.memref_squeeze %dma_wait3A_59 : memref<1x128xi32, #tpu.memory_space<vmem>> -> memref<128xi32, #tpu.memory_space<vmem>>
    %dma_wait3A_61 = arith.constant 0 : i32
    %dma_wait3A_62 = tpu.memref_slice %arg3[%dma_wait3A_61] : memref<100352xi32, #tpu.memory_space<hbm>> -> memref<100352xi32, #tpu.memory_space<hbm>>
    tpu.wait_indirect_dma semaphore(%arg17 : memref<!tpu.dma_semaphore, #tpu.memory_space<semaphore_mem>>) src(%dma_wait3A_62 : memref<100352xi32, #tpu.memory_space<hbm>>) dst(%dma_wait3A_57 : memref<128xi32, #tpu.memory_space<vmem>>)
    %dma_wait3A_63 = arith.constant 2 : i32
    %dma_wait3A_64 = arith.constant 2 : i32
    %dma_wait3A_65 = arith.constant 0 : i32
    %dma_wait3A_66 = tpu.memref_slice %arg13[%dma_wait3A_64, %dma_wait3A_65] : memref<4x128xi32, #tpu.memory_space<vmem>> -> memref<1x128xi32, #tpu.memory_space<vmem>>
    %dma_wait3A_67 = tpu.memref_squeeze %dma_wait3A_66 : memref<1x128xi32, #tpu.memory_space<vmem>> -> memref<128xi32, #tpu.memory_space<vmem>>
    %dma_wait3A_68 = arith.constant 0 : i32
    %dma_wait3A_69 = tpu.memref_slice %arg12[%dma_wait3A_63, %dma_wait3A_68] : memref<4x128xi32, #tpu.memory_space<vmem>> -> memref<1x128xi32, #tpu.memory_space<vmem>>
    %dma_wait3A_70 = tpu.memref_squeeze %dma_wait3A_69 : memref<1x128xi32, #tpu.memory_space<vmem>> -> memref<128xi32, #tpu.memory_space<vmem>>
    %dma_wait3A_71 = arith.constant 0 : i32
    %dma_wait3A_72 = tpu.memref_slice %arg3[%dma_wait3A_71] : memref<100352xi32, #tpu.memory_space<hbm>> -> memref<100352xi32, #tpu.memory_space<hbm>>
    tpu.wait_indirect_dma semaphore(%arg17 : memref<!tpu.dma_semaphore, #tpu.memory_space<semaphore_mem>>) src(%dma_wait3A_72 : memref<100352xi32, #tpu.memory_space<hbm>>) dst(%dma_wait3A_67 : memref<128xi32, #tpu.memory_space<vmem>>)
    %dma_wait3A_73 = arith.constant 3 : i32
    %dma_wait3A_74 = arith.constant 3 : i32
    %dma_wait3A_75 = arith.constant 0 : i32
    %dma_wait3A_76 = tpu.memref_slice %arg13[%dma_wait3A_74, %dma_wait3A_75] : memref<4x128xi32, #tpu.memory_space<vmem>> -> memref<1x128xi32, #tpu.memory_space<vmem>>
    %dma_wait3A_77 = tpu.memref_squeeze %dma_wait3A_76 : memref<1x128xi32, #tpu.memory_space<vmem>> -> memref<128xi32, #tpu.memory_space<vmem>>
    %dma_wait3A_78 = arith.constant 0 : i32
    %dma_wait3A_79 = tpu.memref_slice %arg12[%dma_wait3A_73, %dma_wait3A_78] : memref<4x128xi32, #tpu.memory_space<vmem>> -> memref<1x128xi32, #tpu.memory_space<vmem>>
    %dma_wait3A_80 = tpu.memref_squeeze %dma_wait3A_79 : memref<1x128xi32, #tpu.memory_space<vmem>> -> memref<128xi32, #tpu.memory_space<vmem>>
    %dma_wait3A_81 = arith.constant 0 : i32
    %dma_wait3A_82 = tpu.memref_slice %arg3[%dma_wait3A_81] : memref<100352xi32, #tpu.memory_space<hbm>> -> memref<100352xi32, #tpu.memory_space<hbm>>
    tpu.wait_indirect_dma semaphore(%arg17 : memref<!tpu.dma_semaphore, #tpu.memory_space<semaphore_mem>>) src(%dma_wait3A_82 : memref<100352xi32, #tpu.memory_space<hbm>>) dst(%dma_wait3A_77 : memref<128xi32, #tpu.memory_space<vmem>>)
    %dma_start3A_83 = arith.constant 0 : i32
    %dma_start3A_84 = arith.constant 0 : i32
    %dma_start3A_85 = arith.constant 0 : i32
    %dma_start3A_86 = tpu.memref_slice %arg14[%dma_start3A_84, %dma_start3A_85] : memref<512x128xf32, #tpu.memory_space<vmem>> -> memref<128x128xf32, #tpu.memory_space<vmem>>
    %dma_start3A_87 = arith.constant 0 : i32
    %dma_start3A_88 = tpu.memref_slice %arg13[%dma_start3A_83, %dma_start3A_87] : memref<4x128xi32, #tpu.memory_space<vmem>> -> memref<1x128xi32, #tpu.memory_space<vmem>>
    %dma_start3A_89 = tpu.memref_squeeze %dma_start3A_88 : memref<1x128xi32, #tpu.memory_space<vmem>> -> memref<128xi32, #tpu.memory_space<vmem>>
    %dma_start3A_90 = arith.constant 0 : i32
    %dma_start3A_91 = arith.constant 0 : i32
    %dma_start3A_92 = tpu.memref_slice %arg4[%dma_start3A_90, %dma_start3A_91] : memref<16384x128xf32, #tpu.memory_space<hbm>> -> memref<16384x128xf32, #tpu.memory_space<hbm>>
    tpu.enqueue_indirect_dma source(%dma_start3A_92 : memref<16384x128xf32, #tpu.memory_space<hbm>>) target(%dma_start3A_86 : memref<128x128xf32, #tpu.memory_space<vmem>>) offsets(%dma_start3A_89 : memref<128xi32, #tpu.memory_space<vmem>>) semaphore(%arg17 : memref<!tpu.dma_semaphore, #tpu.memory_space<semaphore_mem>>)
    %dma_start3A_93 = arith.constant 1 : i32
    %dma_start3A_94 = arith.constant 128 : i32
    %dma_start3A_95 = arith.constant 0 : i32
    %dma_start3A_96 = tpu.memref_slice %arg14[%dma_start3A_94, %dma_start3A_95] : memref<512x128xf32, #tpu.memory_space<vmem>> -> memref<128x128xf32, #tpu.memory_space<vmem>>
    %dma_start3A_97 = arith.constant 0 : i32
    %dma_start3A_98 = tpu.memref_slice %arg13[%dma_start3A_93, %dma_start3A_97] : memref<4x128xi32, #tpu.memory_space<vmem>> -> memref<1x128xi32, #tpu.memory_space<vmem>>
    %dma_start3A_99 = tpu.memref_squeeze %dma_start3A_98 : memref<1x128xi32, #tpu.memory_space<vmem>> -> memref<128xi32, #tpu.memory_space<vmem>>
    %dma_start3A_100 = arith.constant 0 : i32
    %dma_start3A_101 = arith.constant 0 : i32
    %dma_start3A_102 = tpu.memref_slice %arg4[%dma_start3A_100, %dma_start3A_101] : memref<16384x128xf32, #tpu.memory_space<hbm>> -> memref<16384x128xf32, #tpu.memory_space<hbm>>
    tpu.enqueue_indirect_dma source(%dma_start3A_102 : memref<16384x128xf32, #tpu.memory_space<hbm>>) target(%dma_start3A_96 : memref<128x128xf32, #tpu.memory_space<vmem>>) offsets(%dma_start3A_99 : memref<128xi32, #tpu.memory_space<vmem>>) semaphore(%arg17 : memref<!tpu.dma_semaphore, #tpu.memory_space<semaphore_mem>>)
    %dma_start3A_103 = arith.constant 2 : i32
    %dma_start3A_104 = arith.constant 256 : i32
    %dma_start3A_105 = arith.constant 0 : i32
    %dma_start3A_106 = tpu.memref_slice %arg14[%dma_start3A_104, %dma_start3A_105] : memref<512x128xf32, #tpu.memory_space<vmem>> -> memref<128x128xf32, #tpu.memory_space<vmem>>
    %dma_start3A_107 = arith.constant 0 : i32
    %dma_start3A_108 = tpu.memref_slice %arg13[%dma_start3A_103, %dma_start3A_107] : memref<4x128xi32, #tpu.memory_space<vmem>> -> memref<1x128xi32, #tpu.memory_space<vmem>>
    %dma_start3A_109 = tpu.memref_squeeze %dma_start3A_108 : memref<1x128xi32, #tpu.memory_space<vmem>> -> memref<128xi32, #tpu.memory_space<vmem>>
    %dma_start3A_110 = arith.constant 0 : i32
    %dma_start3A_111 = arith.constant 0 : i32
    %dma_start3A_112 = tpu.memref_slice %arg4[%dma_start3A_110, %dma_start3A_111] : memref<16384x128xf32, #tpu.memory_space<hbm>> -> memref<16384x128xf32, #tpu.memory_space<hbm>>
    tpu.enqueue_indirect_dma source(%dma_start3A_112 : memref<16384x128xf32, #tpu.memory_space<hbm>>) target(%dma_start3A_106 : memref<128x128xf32, #tpu.memory_space<vmem>>) offsets(%dma_start3A_109 : memref<128xi32, #tpu.memory_space<vmem>>) semaphore(%arg17 : memref<!tpu.dma_semaphore, #tpu.memory_space<semaphore_mem>>)
    %dma_start3A_113 = arith.constant 3 : i32
    %dma_start3A_114 = arith.constant 384 : i32
    %dma_start3A_115 = arith.constant 0 : i32
    %dma_start3A_116 = tpu.memref_slice %arg14[%dma_start3A_114, %dma_start3A_115] : memref<512x128xf32, #tpu.memory_space<vmem>> -> memref<128x128xf32, #tpu.memory_space<vmem>>
    %dma_start3A_117 = arith.constant 0 : i32
    %dma_start3A_118 = tpu.memref_slice %arg13[%dma_start3A_113, %dma_start3A_117] : memref<4x128xi32, #tpu.memory_space<vmem>> -> memref<1x128xi32, #tpu.memory_space<vmem>>
    %dma_start3A_119 = tpu.memref_squeeze %dma_start3A_118 : memref<1x128xi32, #tpu.memory_space<vmem>> -> memref<128xi32, #tpu.memory_space<vmem>>
    %dma_start3A_120 = arith.constant 0 : i32
    %dma_start3A_121 = arith.constant 0 : i32
    %dma_start3A_122 = tpu.memref_slice %arg4[%dma_start3A_120, %dma_start3A_121] : memref<16384x128xf32, #tpu.memory_space<hbm>> -> memref<16384x128xf32, #tpu.memory_space<hbm>>
    tpu.enqueue_indirect_dma source(%dma_start3A_122 : memref<16384x128xf32, #tpu.memory_space<hbm>>) target(%dma_start3A_116 : memref<128x128xf32, #tpu.memory_space<vmem>>) offsets(%dma_start3A_119 : memref<128xi32, #tpu.memory_space<vmem>>) semaphore(%arg17 : memref<!tpu.dma_semaphore, #tpu.memory_space<semaphore_mem>>)
    %dma_wait3A_123 = arith.constant 0 : i32
    %dma_wait3A_124 = arith.constant 0 : i32
    %dma_wait3A_125 = arith.constant 0 : i32
    %dma_wait3A_126 = tpu.memref_slice %arg14[%dma_wait3A_124, %dma_wait3A_125] : memref<512x128xf32, #tpu.memory_space<vmem>> -> memref<128x128xf32, #tpu.memory_space<vmem>>
    %dma_wait3A_127 = arith.constant 0 : i32
    %dma_wait3A_128 = tpu.memref_slice %arg13[%dma_wait3A_123, %dma_wait3A_127] : memref<4x128xi32, #tpu.memory_space<vmem>> -> memref<1x128xi32, #tpu.memory_space<vmem>>
    %dma_wait3A_129 = tpu.memref_squeeze %dma_wait3A_128 : memref<1x128xi32, #tpu.memory_space<vmem>> -> memref<128xi32, #tpu.memory_space<vmem>>
    %dma_wait3A_130 = arith.constant 0 : i32
    %dma_wait3A_131 = arith.constant 0 : i32
    %dma_wait3A_132 = tpu.memref_slice %arg4[%dma_wait3A_130, %dma_wait3A_131] : memref<16384x128xf32, #tpu.memory_space<hbm>> -> memref<16384x128xf32, #tpu.memory_space<hbm>>
    tpu.wait_indirect_dma semaphore(%arg17 : memref<!tpu.dma_semaphore, #tpu.memory_space<semaphore_mem>>) src(%dma_wait3A_132 : memref<16384x128xf32, #tpu.memory_space<hbm>>) dst(%dma_wait3A_126 : memref<128x128xf32, #tpu.memory_space<vmem>>)
    %dma_wait3A_133 = arith.constant 1 : i32
    %dma_wait3A_134 = arith.constant 128 : i32
    %dma_wait3A_135 = arith.constant 0 : i32
    %dma_wait3A_136 = tpu.memref_slice %arg14[%dma_wait3A_134, %dma_wait3A_135] : memref<512x128xf32, #tpu.memory_space<vmem>> -> memref<128x128xf32, #tpu.memory_space<vmem>>
    %dma_wait3A_137 = arith.constant 0 : i32
    %dma_wait3A_138 = tpu.memref_slice %arg13[%dma_wait3A_133, %dma_wait3A_137] : memref<4x128xi32, #tpu.memory_space<vmem>> -> memref<1x128xi32, #tpu.memory_space<vmem>>
    %dma_wait3A_139 = tpu.memref_squeeze %dma_wait3A_138 : memref<1x128xi32, #tpu.memory_space<vmem>> -> memref<128xi32, #tpu.memory_space<vmem>>
    %dma_wait3A_140 = arith.constant 0 : i32
    %dma_wait3A_141 = arith.constant 0 : i32
    %dma_wait3A_142 = tpu.memref_slice %arg4[%dma_wait3A_140, %dma_wait3A_141] : memref<16384x128xf32, #tpu.memory_space<hbm>> -> memref<16384x128xf32, #tpu.memory_space<hbm>>
    tpu.wait_indirect_dma semaphore(%arg17 : memref<!tpu.dma_semaphore, #tpu.memory_space<semaphore_mem>>) src(%dma_wait3A_142 : memref<16384x128xf32, #tpu.memory_space<hbm>>) dst(%dma_wait3A_136 : memref<128x128xf32, #tpu.memory_space<vmem>>)
    %dma_wait3A_143 = arith.constant 2 : i32
    %dma_wait3A_144 = arith.constant 256 : i32
    %dma_wait3A_145 = arith.constant 0 : i32
    %dma_wait3A_146 = tpu.memref_slice %arg14[%dma_wait3A_144, %dma_wait3A_145] : memref<512x128xf32, #tpu.memory_space<vmem>> -> memref<128x128xf32, #tpu.memory_space<vmem>>
    %dma_wait3A_147 = arith.constant 0 : i32
    %dma_wait3A_148 = tpu.memref_slice %arg13[%dma_wait3A_143, %dma_wait3A_147] : memref<4x128xi32, #tpu.memory_space<vmem>> -> memref<1x128xi32, #tpu.memory_space<vmem>>
    %dma_wait3A_149 = tpu.memref_squeeze %dma_wait3A_148 : memref<1x128xi32, #tpu.memory_space<vmem>> -> memref<128xi32, #tpu.memory_space<vmem>>
    %dma_wait3A_150 = arith.constant 0 : i32
    %dma_wait3A_151 = arith.constant 0 : i32
    %dma_wait3A_152 = tpu.memref_slice %arg4[%dma_wait3A_150, %dma_wait3A_151] : memref<16384x128xf32, #tpu.memory_space<hbm>> -> memref<16384x128xf32, #tpu.memory_space<hbm>>
    tpu.wait_indirect_dma semaphore(%arg17 : memref<!tpu.dma_semaphore, #tpu.memory_space<semaphore_mem>>) src(%dma_wait3A_152 : memref<16384x128xf32, #tpu.memory_space<hbm>>) dst(%dma_wait3A_146 : memref<128x128xf32, #tpu.memory_space<vmem>>)
    %dma_wait3A_153 = arith.constant 3 : i32
    %dma_wait3A_154 = arith.constant 384 : i32
    %dma_wait3A_155 = arith.constant 0 : i32
    %dma_wait3A_156 = tpu.memref_slice %arg14[%dma_wait3A_154, %dma_wait3A_155] : memref<512x128xf32, #tpu.memory_space<vmem>> -> memref<128x128xf32, #tpu.memory_space<vmem>>
    %dma_wait3A_157 = arith.constant 0 : i32
    %dma_wait3A_158 = tpu.memref_slice %arg13[%dma_wait3A_153, %dma_wait3A_157] : memref<4x128xi32, #tpu.memory_space<vmem>> -> memref<1x128xi32, #tpu.memory_space<vmem>>
    %dma_wait3A_159 = tpu.memref_squeeze %dma_wait3A_158 : memref<1x128xi32, #tpu.memory_space<vmem>> -> memref<128xi32, #tpu.memory_space<vmem>>
    %dma_wait3A_160 = arith.constant 0 : i32
    %dma_wait3A_161 = arith.constant 0 : i32
    %dma_wait3A_162 = tpu.memref_slice %arg4[%dma_wait3A_160, %dma_wait3A_161] : memref<16384x128xf32, #tpu.memory_space<hbm>> -> memref<16384x128xf32, #tpu.memory_space<hbm>>
    tpu.wait_indirect_dma semaphore(%arg17 : memref<!tpu.dma_semaphore, #tpu.memory_space<semaphore_mem>>) src(%dma_wait3A_162 : memref<16384x128xf32, #tpu.memory_space<hbm>>) dst(%dma_wait3A_156 : memref<128x128xf32, #tpu.memory_space<vmem>>)
    %scan3A = arith.constant 0 : i32
    %scan3A_163 = arith.constant 512 : i32
    %scan3A_164 = arith.addi %scan3A, %scan3A_163 : i32
    %scan3A_165 = arith.constant 1 : i32
    scf.for %scan3A_487 = %scan3A to %scan3A_164 step %scan3A_165  : i32 {
      %mul3A_488 = arith.constant 1 : i32
      %mul3A_489 = arith.muli %scan3A_487, %mul3A_488 : i32
      %add3A_490 = arith.constant 0 : i32
      %add3A_491 = arith.addi %add3A_490, %mul3A_489 : i32
      %get3A = arith.index_cast %add3A_491 : i32 to index
      %get3A_492 = arith.constant 0 : index
      %get3A_493 = tpu.vector_load %arg14[%get3A, %get3A_492] {strides = array<i32>} : memref<512x128xf32, #tpu.memory_space<vmem>>, vector<16xf32>,
      %swap3A = arith.index_cast %add3A_491 : i32 to index
      %swap3A_494 = arith.constant 0 : index
      %swap3A_495 = tpu.vector_load %arg15[%swap3A, %swap3A_494] {strides = array<i32>} : memref<512x32xf32, #tpu.memory_space<vmem>>, vector<16xf32>,
      tpu.vector_store %arg15[%swap3A, %swap3A_494], %get3A_493 {strides = array<i32>} : memref<512x32xf32, #tpu.memory_space<vmem>>, vector<16xf32>,
      %get3A_496 = arith.index_cast %add3A_491 : i32 to index
      %get3A_497 = arith.constant 32 : index
      %get3A_498 = tpu.vector_load %arg14[%get3A_496, %get3A_497] {strides = array<i32>} : memref<512x128xf32, #tpu.memory_space<vmem>>, vector<16xf32>,
      %swap3A_499 = arith.index_cast %add3A_491 : i32 to index
      %swap3A_500 = arith.constant 0 : index
      %swap3A_501 = tpu.vector_load %arg16[%swap3A_499, %swap3A_500] {strides = array<i32>} : memref<512x32xf32, #tpu.memory_space<vmem>>, vector<16xf32>,
      tpu.vector_store %arg16[%swap3A_499, %swap3A_500], %get3A_498 {strides = array<i32>} : memref<512x32xf32, #tpu.memory_space<vmem>>, vector<16xf32>,
      %get3A_502 = arith.index_cast %add3A_491 : i32 to index
      %get3A_503 = arith.constant 16 : index
      %get3A_504 = tpu.vector_load %arg14[%get3A_502, %get3A_503] {strides = array<i32>} : memref<512x128xf32, #tpu.memory_space<vmem>>, vector<16xf32>,
      %swap3A_505 = arith.index_cast %add3A_491 : i32 to index
      %swap3A_506 = arith.constant 16 : index
      %swap3A_507 = tpu.vector_load %arg15[%swap3A_505, %swap3A_506] {strides = array<i32>} : memref<512x32xf32, #tpu.memory_space<vmem>>, vector<16xf32>,
      tpu.vector_store %arg15[%swap3A_505, %swap3A_506], %get3A_504 {strides = array<i32>} : memref<512x32xf32, #tpu.memory_space<vmem>>, vector<16xf32>,
      %get3A_508 = arith.index_cast %add3A_491 : i32 to index
      %get3A_509 = arith.constant 48 : index
      %get3A_510 = tpu.vector_load %arg14[%get3A_508, %get3A_509] {strides = array<i32>} : memref<512x128xf32, #tpu.memory_space<vmem>>, vector<16xf32>,
      %swap3A_511 = arith.index_cast %add3A_491 : i32 to index
      %swap3A_512 = arith.constant 16 : index
      %swap3A_513 = tpu.vector_load %arg16[%swap3A_511, %swap3A_512] {strides = array<i32>} : memref<512x32xf32, #tpu.memory_space<vmem>>, vector<16xf32>,
      tpu.vector_store %arg16[%swap3A_511, %swap3A_512], %get3A_510 {strides = array<i32>} : memref<512x32xf32, #tpu.memory_space<vmem>>, vector<16xf32>,
    }
    %scan3A_166 = arith.constant 512 : i32
    %dma_start3A_167 = arith.constant 0 : i32
    %dma_start3A_168 = arith.constant 0 : i32
    %dma_start3A_169 = arith.constant 0 : i32
    %dma_start3A_170 = tpu.memref_slice %arg14[%dma_start3A_168, %dma_start3A_169] : memref<512x128xf32, #tpu.memory_space<vmem>> -> memref<128x128xf32, #tpu.memory_space<vmem>>
    %dma_start3A_171 = arith.constant 0 : i32
    %dma_start3A_172 = tpu.memref_slice %arg13[%dma_start3A_167, %dma_start3A_171] : memref<4x128xi32, #tpu.memory_space<vmem>> -> memref<1x128xi32, #tpu.memory_space<vmem>>
    %dma_start3A_173 = tpu.memref_squeeze %dma_start3A_172 : memref<1x128xi32, #tpu.memory_space<vmem>> -> memref<128xi32, #tpu.memory_space<vmem>>
    %dma_start3A_174 = arith.constant 0 : i32
    %dma_start3A_175 = arith.constant 0 : i32
    %dma_start3A_176 = tpu.memref_slice %arg5[%dma_start3A_174, %dma_start3A_175] : memref<16384x128xf32, #tpu.memory_space<hbm>> -> memref<16384x128xf32, #tpu.memory_space<hbm>>
    tpu.enqueue_indirect_dma source(%dma_start3A_176 : memref<16384x128xf32, #tpu.memory_space<hbm>>) target(%dma_start3A_170 : memref<128x128xf32, #tpu.memory_space<vmem>>) offsets(%dma_start3A_173 : memref<128xi32, #tpu.memory_space<vmem>>) semaphore(%arg17 : memref<!tpu.dma_semaphore, #tpu.memory_space<semaphore_mem>>)
    %dma_start3A_177 = arith.constant 1 : i32
    %dma_start3A_178 = arith.constant 128 : i32
    %dma_start3A_179 = arith.constant 0 : i32
    %dma_start3A_180 = tpu.memref_slice %arg14[%dma_start3A_178, %dma_start3A_179] : memref<512x128xf32, #tpu.memory_space<vmem>> -> memref<128x128xf32, #tpu.memory_space<vmem>>
    %dma_start3A_181 = arith.constant 0 : i32
    %dma_start3A_182 = tpu.memref_slice %arg13[%dma_start3A_177, %dma_start3A_181] : memref<4x128xi32, #tpu.memory_space<vmem>> -> memref<1x128xi32, #tpu.memory_space<vmem>>
    %dma_start3A_183 = tpu.memref_squeeze %dma_start3A_182 : memref<1x128xi32, #tpu.memory_space<vmem>> -> memref<128xi32, #tpu.memory_space<vmem>>
    %dma_start3A_184 = arith.constant 0 : i32
    %dma_start3A_185 = arith.constant 0 : i32
    %dma_start3A_186 = tpu.memref_slice %arg5[%dma_start3A_184, %dma_start3A_185] : memref<16384x128xf32, #tpu.memory_space<hbm>> -> memref<16384x128xf32, #tpu.memory_space<hbm>>
    tpu.enqueue_indirect_dma source(%dma_start3A_186 : memref<16384x128xf32, #tpu.memory_space<hbm>>) target(%dma_start3A_180 : memref<128x128xf32, #tpu.memory_space<vmem>>) offsets(%dma_start3A_183 : memref<128xi32, #tpu.memory_space<vmem>>) semaphore(%arg17 : memref<!tpu.dma_semaphore, #tpu.memory_space<semaphore_mem>>)
    %dma_start3A_187 = arith.constant 2 : i32
    %dma_start3A_188 = arith.constant 256 : i32
    %dma_start3A_189 = arith.constant 0 : i32
    %dma_start3A_190 = tpu.memref_slice %arg14[%dma_start3A_188, %dma_start3A_189] : memref<512x128xf32, #tpu.memory_space<vmem>> -> memref<128x128xf32, #tpu.memory_space<vmem>>
    %dma_start3A_191 = arith.constant 0 : i32
    %dma_start3A_192 = tpu.memref_slice %arg13[%dma_start3A_187, %dma_start3A_191] : memref<4x128xi32, #tpu.memory_space<vmem>> -> memref<1x128xi32, #tpu.memory_space<vmem>>
    %dma_start3A_193 = tpu.memref_squeeze %dma_start3A_192 : memref<1x128xi32, #tpu.memory_space<vmem>> -> memref<128xi32, #tpu.memory_space<vmem>>
    %dma_start3A_194 = arith.constant 0 : i32
    %dma_start3A_195 = arith.constant 0 : i32
    %dma_start3A_196 = tpu.memref_slice %arg5[%dma_start3A_194, %dma_start3A_195] : memref<16384x128xf32, #tpu.memory_space<hbm>> -> memref<16384x128xf32, #tpu.memory_space<hbm>>
    tpu.enqueue_indirect_dma source(%dma_start3A_196 : memref<16384x128xf32, #tpu.memory_space<hbm>>) target(%dma_start3A_190 : memref<128x128xf32, #tpu.memory_space<vmem>>) offsets(%dma_start3A_193 : memref<128xi32, #tpu.memory_space<vmem>>) semaphore(%arg17 : memref<!tpu.dma_semaphore, #tpu.memory_space<semaphore_mem>>)
    %dma_start3A_197 = arith.constant 3 : i32
    %dma_start3A_198 = arith.constant 384 : i32
    %dma_start3A_199 = arith.constant 0 : i32
    %dma_start3A_200 = tpu.memref_slice %arg14[%dma_start3A_198, %dma_start3A_199] : memref<512x128xf32, #tpu.memory_space<vmem>> -> memref<128x128xf32, #tpu.memory_space<vmem>>
    %dma_start3A_201 = arith.constant 0 : i32
    %dma_start3A_202 = tpu.memref_slice %arg13[%dma_start3A_197, %dma_start3A_201] : memref<4x128xi32, #tpu.memory_space<vmem>> -> memref<1x128xi32, #tpu.memory_space<vmem>>
    %dma_start3A_203 = tpu.memref_squeeze %dma_start3A_202 : memref<1x128xi32, #tpu.memory_space<vmem>> -> memref<128xi32, #tpu.memory_space<vmem>>
    %dma_start3A_204 = arith.constant 0 : i32
    %dma_start3A_205 = arith.constant 0 : i32
    %dma_start3A_206 = tpu.memref_slice %arg5[%dma_start3A_204, %dma_start3A_205] : memref<16384x128xf32, #tpu.memory_space<hbm>> -> memref<16384x128xf32, #tpu.memory_space<hbm>>
    tpu.enqueue_indirect_dma source(%dma_start3A_206 : memref<16384x128xf32, #tpu.memory_space<hbm>>) target(%dma_start3A_200 : memref<128x128xf32, #tpu.memory_space<vmem>>) offsets(%dma_start3A_203 : memref<128xi32, #tpu.memory_space<vmem>>) semaphore(%arg17 : memref<!tpu.dma_semaphore, #tpu.memory_space<semaphore_mem>>)
    %dma_wait3A_207 = arith.constant 0 : i32
    %dma_wait3A_208 = arith.constant 0 : i32
    %dma_wait3A_209 = arith.constant 0 : i32
    %dma_wait3A_210 = tpu.memref_slice %arg14[%dma_wait3A_208, %dma_wait3A_209] : memref<512x128xf32, #tpu.memory_space<vmem>> -> memref<128x128xf32, #tpu.memory_space<vmem>>
    %dma_wait3A_211 = arith.constant 0 : i32
    %dma_wait3A_212 = tpu.memref_slice %arg13[%dma_wait3A_207, %dma_wait3A_211] : memref<4x128xi32, #tpu.memory_space<vmem>> -> memref<1x128xi32, #tpu.memory_space<vmem>>
    %dma_wait3A_213 = tpu.memref_squeeze %dma_wait3A_212 : memref<1x128xi32, #tpu.memory_space<vmem>> -> memref<128xi32, #tpu.memory_space<vmem>>
    %dma_wait3A_214 = arith.constant 0 : i32
    %dma_wait3A_215 = arith.constant 0 : i32
    %dma_wait3A_216 = tpu.memref_slice %arg5[%dma_wait3A_214, %dma_wait3A_215] : memref<16384x128xf32, #tpu.memory_space<hbm>> -> memref<16384x128xf32, #tpu.memory_space<hbm>>
    tpu.wait_indirect_dma semaphore(%arg17 : memref<!tpu.dma_semaphore, #tpu.memory_space<semaphore_mem>>) src(%dma_wait3A_216 : memref<16384x128xf32, #tpu.memory_space<hbm>>) dst(%dma_wait3A_210 : memref<128x128xf32, #tpu.memory_space<vmem>>)
    %dma_wait3A_217 = arith.constant 1 : i32
    %dma_wait3A_218 = arith.constant 128 : i32
    %dma_wait3A_219 = arith.constant 0 : i32
    %dma_wait3A_220 = tpu.memref_slice %arg14[%dma_wait3A_218, %dma_wait3A_219] : memref<512x128xf32, #tpu.memory_space<vmem>> -> memref<128x128xf32, #tpu.memory_space<vmem>>
    %dma_wait3A_221 = arith.constant 0 : i32
    %dma_wait3A_222 = tpu.memref_slice %arg13[%dma_wait3A_217, %dma_wait3A_221] : memref<4x128xi32, #tpu.memory_space<vmem>> -> memref<1x128xi32, #tpu.memory_space<vmem>>
    %dma_wait3A_223 = tpu.memref_squeeze %dma_wait3A_222 : memref<1x128xi32, #tpu.memory_space<vmem>> -> memref<128xi32, #tpu.memory_space<vmem>>
    %dma_wait3A_224 = arith.constant 0 : i32
    %dma_wait3A_225 = arith.constant 0 : i32
    %dma_wait3A_226 = tpu.memref_slice %arg5[%dma_wait3A_224, %dma_wait3A_225] : memref<16384x128xf32, #tpu.memory_space<hbm>> -> memref<16384x128xf32, #tpu.memory_space<hbm>>
    tpu.wait_indirect_dma semaphore(%arg17 : memref<!tpu.dma_semaphore, #tpu.memory_space<semaphore_mem>>) src(%dma_wait3A_226 : memref<16384x128xf32, #tpu.memory_space<hbm>>) dst(%dma_wait3A_220 : memref<128x128xf32, #tpu.memory_space<vmem>>)
    %dma_wait3A_227 = arith.constant 2 : i32
    %dma_wait3A_228 = arith.constant 256 : i32
    %dma_wait3A_229 = arith.constant 0 : i32
    %dma_wait3A_230 = tpu.memref_slice %arg14[%dma_wait3A_228, %dma_wait3A_229] : memref<512x128xf32, #tpu.memory_space<vmem>> -> memref<128x128xf32, #tpu.memory_space<vmem>>
    %dma_wait3A_231 = arith.constant 0 : i32
    %dma_wait3A_232 = tpu.memref_slice %arg13[%dma_wait3A_227, %dma_wait3A_231] : memref<4x128xi32, #tpu.memory_space<vmem>> -> memref<1x128xi32, #tpu.memory_space<vmem>>
    %dma_wait3A_233 = tpu.memref_squeeze %dma_wait3A_232 : memref<1x128xi32, #tpu.memory_space<vmem>> -> memref<128xi32, #tpu.memory_space<vmem>>
    %dma_wait3A_234 = arith.constant 0 : i32
    %dma_wait3A_235 = arith.constant 0 : i32
    %dma_wait3A_236 = tpu.memref_slice %arg5[%dma_wait3A_234, %dma_wait3A_235] : memref<16384x128xf32, #tpu.memory_space<hbm>> -> memref<16384x128xf32, #tpu.memory_space<hbm>>
    tpu.wait_indirect_dma semaphore(%arg17 : memref<!tpu.dma_semaphore, #tpu.memory_space<semaphore_mem>>) src(%dma_wait3A_236 : memref<16384x128xf32, #tpu.memory_space<hbm>>) dst(%dma_wait3A_230 : memref<128x128xf32, #tpu.memory_space<vmem>>)
    %dma_wait3A_237 = arith.constant 3 : i32
    %dma_wait3A_238 = arith.constant 384 : i32
    %dma_wait3A_239 = arith.constant 0 : i32
    %dma_wait3A_240 = tpu.memref_slice %arg14[%dma_wait3A_238, %dma_wait3A_239] : memref<512x128xf32, #tpu.memory_space<vmem>> -> memref<128x128xf32, #tpu.memory_space<vmem>>
    %dma_wait3A_241 = arith.constant 0 : i32
    %dma_wait3A_242 = tpu.memref_slice %arg13[%dma_wait3A_237, %dma_wait3A_241] : memref<4x128xi32, #tpu.memory_space<vmem>> -> memref<1x128xi32, #tpu.memory_space<vmem>>
    %dma_wait3A_243 = tpu.memref_squeeze %dma_wait3A_242 : memref<1x128xi32, #tpu.memory_space<vmem>> -> memref<128xi32, #tpu.memory_space<vmem>>
    %dma_wait3A_244 = arith.constant 0 : i32
    %dma_wait3A_245 = arith.constant 0 : i32
    %dma_wait3A_246 = tpu.memref_slice %arg5[%dma_wait3A_244, %dma_wait3A_245] : memref<16384x128xf32, #tpu.memory_space<hbm>> -> memref<16384x128xf32, #tpu.memory_space<hbm>>
    tpu.wait_indirect_dma semaphore(%arg17 : memref<!tpu.dma_semaphore, #tpu.memory_space<semaphore_mem>>) src(%dma_wait3A_246 : memref<16384x128xf32, #tpu.memory_space<hbm>>) dst(%dma_wait3A_240 : memref<128x128xf32, #tpu.memory_space<vmem>>)
    %dma_start3A_247 = arith.constant 0 : i32
    %dma_start3A_248 = arith.constant 0 : i32
    %dma_start3A_249 = arith.constant 0 : i32
    %dma_start3A_250 = tpu.memref_slice %arg14[%dma_start3A_248, %dma_start3A_249] : memref<512x128xf32, #tpu.memory_space<vmem>> -> memref<128x128xf32, #tpu.memory_space<vmem>>
    %dma_start3A_251 = arith.constant 0 : i32
    %dma_start3A_252 = tpu.memref_slice %arg12[%dma_start3A_247, %dma_start3A_251] : memref<4x128xi32, #tpu.memory_space<vmem>> -> memref<1x128xi32, #tpu.memory_space<vmem>>
    %dma_start3A_253 = tpu.memref_squeeze %dma_start3A_252 : memref<1x128xi32, #tpu.memory_space<vmem>> -> memref<128xi32, #tpu.memory_space<vmem>>
    %dma_start3A_254 = arith.constant 0 : i32
    %dma_start3A_255 = arith.constant 0 : i32
    %dma_start3A_256 = tpu.memref_slice %arg6[%dma_start3A_254, %dma_start3A_255] : memref<100000x128xf32, #tpu.memory_space<hbm>> -> memref<100000x128xf32, #tpu.memory_space<hbm>>
    tpu.enqueue_indirect_dma source(%dma_start3A_250 : memref<128x128xf32, #tpu.memory_space<vmem>>) target(%dma_start3A_256 : memref<100000x128xf32, #tpu.memory_space<hbm>>) offsets(%dma_start3A_253 : memref<128xi32, #tpu.memory_space<vmem>>) semaphore(%arg17 : memref<!tpu.dma_semaphore, #tpu.memory_space<semaphore_mem>>)
    %dma_start3A_257 = arith.constant 0 : i32
    %dma_start3A_258 = arith.constant 0 : i32
    %dma_start3A_259 = arith.constant 0 : i32
    %dma_start3A_260 = tpu.memref_slice %arg16[%dma_start3A_258, %dma_start3A_259] : memref<512x32xf32, #tpu.memory_space<vmem>> -> memref<128x32xf32, #tpu.memory_space<vmem>>
    %dma_start3A_261 = arith.constant 0 : i32
    %dma_start3A_262 = tpu.memref_slice %arg12[%dma_start3A_257, %dma_start3A_261] : memref<4x128xi32, #tpu.memory_space<vmem>> -> memref<1x128xi32, #tpu.memory_space<vmem>>
    %dma_start3A_263 = tpu.memref_squeeze %dma_start3A_262 : memref<1x128xi32, #tpu.memory_space<vmem>> -> memref<128xi32, #tpu.memory_space<vmem>>
    %dma_start3A_264 = arith.constant 0 : i32
    %dma_start3A_265 = arith.constant 0 : i32
    %dma_start3A_266 = tpu.memref_slice %arg7[%dma_start3A_264, %dma_start3A_265] : memref<100000x32xf32, #tpu.memory_space<hbm>> -> memref<100000x32xf32, #tpu.memory_space<hbm>>
    tpu.enqueue_indirect_dma source(%dma_start3A_260 : memref<128x32xf32, #tpu.memory_space<vmem>>) target(%dma_start3A_266 : memref<100000x32xf32, #tpu.memory_space<hbm>>) offsets(%dma_start3A_263 : memref<128xi32, #tpu.memory_space<vmem>>) semaphore(%arg17 : memref<!tpu.dma_semaphore, #tpu.memory_space<semaphore_mem>>)
    %dma_start3A_267 = arith.constant 0 : i32
    %dma_start3A_268 = arith.constant 0 : i32
    %dma_start3A_269 = arith.constant 0 : i32
    %dma_start3A_270 = tpu.memref_slice %arg15[%dma_start3A_268, %dma_start3A_269] : memref<512x32xf32, #tpu.memory_space<vmem>> -> memref<128x32xf32, #tpu.memory_space<vmem>>
    %dma_start3A_271 = arith.constant 0 : i32
    %dma_start3A_272 = tpu.memref_slice %arg12[%dma_start3A_267, %dma_start3A_271] : memref<4x128xi32, #tpu.memory_space<vmem>> -> memref<1x128xi32, #tpu.memory_space<vmem>>
    %dma_start3A_273 = tpu.memref_squeeze %dma_start3A_272 : memref<1x128xi32, #tpu.memory_space<vmem>> -> memref<128xi32, #tpu.memory_space<vmem>>
    %dma_start3A_274 = arith.constant 0 : i32
    %dma_start3A_275 = arith.constant 0 : i32
    %dma_start3A_276 = tpu.memref_slice %arg8[%dma_start3A_274, %dma_start3A_275] : memref<100000x32xf32, #tpu.memory_space<hbm>> -> memref<100000x32xf32, #tpu.memory_space<hbm>>
    tpu.enqueue_indirect_dma source(%dma_start3A_270 : memref<128x32xf32, #tpu.memory_space<vmem>>) target(%dma_start3A_276 : memref<100000x32xf32, #tpu.memory_space<hbm>>) offsets(%dma_start3A_273 : memref<128xi32, #tpu.memory_space<vmem>>) semaphore(%arg17 : memref<!tpu.dma_semaphore, #tpu.memory_space<semaphore_mem>>)
    %dma_start3A_277 = arith.constant 1 : i32
    %dma_start3A_278 = arith.constant 128 : i32
    %dma_start3A_279 = arith.constant 0 : i32
    %dma_start3A_280 = tpu.memref_slice %arg14[%dma_start3A_278, %dma_start3A_279] : memref<512x128xf32, #tpu.memory_space<vmem>> -> memref<128x128xf32, #tpu.memory_space<vmem>>
    %dma_start3A_281 = arith.constant 0 : i32
    %dma_start3A_282 = tpu.memref_slice %arg12[%dma_start3A_277, %dma_start3A_281] : memref<4x128xi32, #tpu.memory_space<vmem>> -> memref<1x128xi32, #tpu.memory_space<vmem>>
    %dma_start3A_283 = tpu.memref_squeeze %dma_start3A_282 : memref<1x128xi32, #tpu.memory_space<vmem>> -> memref<128xi32, #tpu.memory_space<vmem>>
    %dma_start3A_284 = arith.constant 0 : i32
    %dma_start3A_285 = arith.constant 0 : i32
    %dma_start3A_286 = tpu.memref_slice %arg6[%dma_start3A_284, %dma_start3A_285] : memref<100000x128xf32, #tpu.memory_space<hbm>> -> memref<100000x128xf32, #tpu.memory_space<hbm>>
    tpu.enqueue_indirect_dma source(%dma_start3A_280 : memref<128x128xf32, #tpu.memory_space<vmem>>) target(%dma_start3A_286 : memref<100000x128xf32, #tpu.memory_space<hbm>>) offsets(%dma_start3A_283 : memref<128xi32, #tpu.memory_space<vmem>>) semaphore(%arg17 : memref<!tpu.dma_semaphore, #tpu.memory_space<semaphore_mem>>)
    %dma_start3A_287 = arith.constant 1 : i32
    %dma_start3A_288 = arith.constant 128 : i32
    %dma_start3A_289 = arith.constant 0 : i32
    %dma_start3A_290 = tpu.memref_slice %arg16[%dma_start3A_288, %dma_start3A_289] : memref<512x32xf32, #tpu.memory_space<vmem>> -> memref<128x32xf32, #tpu.memory_space<vmem>>
    %dma_start3A_291 = arith.constant 0 : i32
    %dma_start3A_292 = tpu.memref_slice %arg12[%dma_start3A_287, %dma_start3A_291] : memref<4x128xi32, #tpu.memory_space<vmem>> -> memref<1x128xi32, #tpu.memory_space<vmem>>
    %dma_start3A_293 = tpu.memref_squeeze %dma_start3A_292 : memref<1x128xi32, #tpu.memory_space<vmem>> -> memref<128xi32, #tpu.memory_space<vmem>>
    %dma_start3A_294 = arith.constant 0 : i32
    %dma_start3A_295 = arith.constant 0 : i32
    %dma_start3A_296 = tpu.memref_slice %arg7[%dma_start3A_294, %dma_start3A_295] : memref<100000x32xf32, #tpu.memory_space<hbm>> -> memref<100000x32xf32, #tpu.memory_space<hbm>>
    tpu.enqueue_indirect_dma source(%dma_start3A_290 : memref<128x32xf32, #tpu.memory_space<vmem>>) target(%dma_start3A_296 : memref<100000x32xf32, #tpu.memory_space<hbm>>) offsets(%dma_start3A_293 : memref<128xi32, #tpu.memory_space<vmem>>) semaphore(%arg17 : memref<!tpu.dma_semaphore, #tpu.memory_space<semaphore_mem>>)
    %dma_start3A_297 = arith.constant 1 : i32
    %dma_start3A_298 = arith.constant 128 : i32
    %dma_start3A_299 = arith.constant 0 : i32
    %dma_start3A_300 = tpu.memref_slice %arg15[%dma_start3A_298, %dma_start3A_299] : memref<512x32xf32, #tpu.memory_space<vmem>> -> memref<128x32xf32, #tpu.memory_space<vmem>>
    %dma_start3A_301 = arith.constant 0 : i32
    %dma_start3A_302 = tpu.memref_slice %arg12[%dma_start3A_297, %dma_start3A_301] : memref<4x128xi32, #tpu.memory_space<vmem>> -> memref<1x128xi32, #tpu.memory_space<vmem>>
    %dma_start3A_303 = tpu.memref_squeeze %dma_start3A_302 : memref<1x128xi32, #tpu.memory_space<vmem>> -> memref<128xi32, #tpu.memory_space<vmem>>
    %dma_start3A_304 = arith.constant 0 : i32
    %dma_start3A_305 = arith.constant 0 : i32
    %dma_start3A_306 = tpu.memref_slice %arg8[%dma_start3A_304, %dma_start3A_305] : memref<100000x32xf32, #tpu.memory_space<hbm>> -> memref<100000x32xf32, #tpu.memory_space<hbm>>
    tpu.enqueue_indirect_dma source(%dma_start3A_300 : memref<128x32xf32, #tpu.memory_space<vmem>>) target(%dma_start3A_306 : memref<100000x32xf32, #tpu.memory_space<hbm>>) offsets(%dma_start3A_303 : memref<128xi32, #tpu.memory_space<vmem>>) semaphore(%arg17 : memref<!tpu.dma_semaphore, #tpu.memory_space<semaphore_mem>>)
    %dma_start3A_307 = arith.constant 2 : i32
    %dma_start3A_308 = arith.constant 256 : i32
    %dma_start3A_309 = arith.constant 0 : i32
    %dma_start3A_310 = tpu.memref_slice %arg14[%dma_start3A_308, %dma_start3A_309] : memref<512x128xf32, #tpu.memory_space<vmem>> -> memref<128x128xf32, #tpu.memory_space<vmem>>
    %dma_start3A_311 = arith.constant 0 : i32
    %dma_start3A_312 = tpu.memref_slice %arg12[%dma_start3A_307, %dma_start3A_311] : memref<4x128xi32, #tpu.memory_space<vmem>> -> memref<1x128xi32, #tpu.memory_space<vmem>>
    %dma_start3A_313 = tpu.memref_squeeze %dma_start3A_312 : memref<1x128xi32, #tpu.memory_space<vmem>> -> memref<128xi32, #tpu.memory_space<vmem>>
    %dma_start3A_314 = arith.constant 0 : i32
    %dma_start3A_315 = arith.constant 0 : i32
    %dma_start3A_316 = tpu.memref_slice %arg6[%dma_start3A_314, %dma_start3A_315] : memref<100000x128xf32, #tpu.memory_space<hbm>> -> memref<100000x128xf32, #tpu.memory_space<hbm>>
    tpu.enqueue_indirect_dma source(%dma_start3A_310 : memref<128x128xf32, #tpu.memory_space<vmem>>) target(%dma_start3A_316 : memref<100000x128xf32, #tpu.memory_space<hbm>>) offsets(%dma_start3A_313 : memref<128xi32, #tpu.memory_space<vmem>>) semaphore(%arg17 : memref<!tpu.dma_semaphore, #tpu.memory_space<semaphore_mem>>)
    %dma_start3A_317 = arith.constant 2 : i32
    %dma_start3A_318 = arith.constant 256 : i32
    %dma_start3A_319 = arith.constant 0 : i32
    %dma_start3A_320 = tpu.memref_slice %arg16[%dma_start3A_318, %dma_start3A_319] : memref<512x32xf32, #tpu.memory_space<vmem>> -> memref<128x32xf32, #tpu.memory_space<vmem>>
    %dma_start3A_321 = arith.constant 0 : i32
    %dma_start3A_322 = tpu.memref_slice %arg12[%dma_start3A_317, %dma_start3A_321] : memref<4x128xi32, #tpu.memory_space<vmem>> -> memref<1x128xi32, #tpu.memory_space<vmem>>
    %dma_start3A_323 = tpu.memref_squeeze %dma_start3A_322 : memref<1x128xi32, #tpu.memory_space<vmem>> -> memref<128xi32, #tpu.memory_space<vmem>>
    %dma_start3A_324 = arith.constant 0 : i32
    %dma_start3A_325 = arith.constant 0 : i32
    %dma_start3A_326 = tpu.memref_slice %arg7[%dma_start3A_324, %dma_start3A_325] : memref<100000x32xf32, #tpu.memory_space<hbm>> -> memref<100000x32xf32, #tpu.memory_space<hbm>>
    tpu.enqueue_indirect_dma source(%dma_start3A_320 : memref<128x32xf32, #tpu.memory_space<vmem>>) target(%dma_start3A_326 : memref<100000x32xf32, #tpu.memory_space<hbm>>) offsets(%dma_start3A_323 : memref<128xi32, #tpu.memory_space<vmem>>) semaphore(%arg17 : memref<!tpu.dma_semaphore, #tpu.memory_space<semaphore_mem>>)
    %dma_start3A_327 = arith.constant 2 : i32
    %dma_start3A_328 = arith.constant 256 : i32
    %dma_start3A_329 = arith.constant 0 : i32
    %dma_start3A_330 = tpu.memref_slice %arg15[%dma_start3A_328, %dma_start3A_329] : memref<512x32xf32, #tpu.memory_space<vmem>> -> memref<128x32xf32, #tpu.memory_space<vmem>>
    %dma_start3A_331 = arith.constant 0 : i32
    %dma_start3A_332 = tpu.memref_slice %arg12[%dma_start3A_327, %dma_start3A_331] : memref<4x128xi32, #tpu.memory_space<vmem>> -> memref<1x128xi32, #tpu.memory_space<vmem>>
    %dma_start3A_333 = tpu.memref_squeeze %dma_start3A_332 : memref<1x128xi32, #tpu.memory_space<vmem>> -> memref<128xi32, #tpu.memory_space<vmem>>
    %dma_start3A_334 = arith.constant 0 : i32
    %dma_start3A_335 = arith.constant 0 : i32
    %dma_start3A_336 = tpu.memref_slice %arg8[%dma_start3A_334, %dma_start3A_335] : memref<100000x32xf32, #tpu.memory_space<hbm>> -> memref<100000x32xf32, #tpu.memory_space<hbm>>
    tpu.enqueue_indirect_dma source(%dma_start3A_330 : memref<128x32xf32, #tpu.memory_space<vmem>>) target(%dma_start3A_336 : memref<100000x32xf32, #tpu.memory_space<hbm>>) offsets(%dma_start3A_333 : memref<128xi32, #tpu.memory_space<vmem>>) semaphore(%arg17 : memref<!tpu.dma_semaphore, #tpu.memory_space<semaphore_mem>>)
    %dma_start3A_337 = arith.constant 3 : i32
    %dma_start3A_338 = arith.constant 384 : i32
    %dma_start3A_339 = arith.constant 0 : i32
    %dma_start3A_340 = tpu.memref_slice %arg14[%dma_start3A_338, %dma_start3A_339] : memref<512x128xf32, #tpu.memory_space<vmem>> -> memref<128x128xf32, #tpu.memory_space<vmem>>
    %dma_start3A_341 = arith.constant 0 : i32
    %dma_start3A_342 = tpu.memref_slice %arg12[%dma_start3A_337, %dma_start3A_341] : memref<4x128xi32, #tpu.memory_space<vmem>> -> memref<1x128xi32, #tpu.memory_space<vmem>>
    %dma_start3A_343 = tpu.memref_squeeze %dma_start3A_342 : memref<1x128xi32, #tpu.memory_space<vmem>> -> memref<128xi32, #tpu.memory_space<vmem>>
    %dma_start3A_344 = arith.constant 0 : i32
    %dma_start3A_345 = arith.constant 0 : i32
    %dma_start3A_346 = tpu.memref_slice %arg6[%dma_start3A_344, %dma_start3A_345] : memref<100000x128xf32, #tpu.memory_space<hbm>> -> memref<100000x128xf32, #tpu.memory_space<hbm>>
    tpu.enqueue_indirect_dma source(%dma_start3A_340 : memref<128x128xf32, #tpu.memory_space<vmem>>) target(%dma_start3A_346 : memref<100000x128xf32, #tpu.memory_space<hbm>>) offsets(%dma_start3A_343 : memref<128xi32, #tpu.memory_space<vmem>>) semaphore(%arg17 : memref<!tpu.dma_semaphore, #tpu.memory_space<semaphore_mem>>)
    %dma_start3A_347 = arith.constant 3 : i32
    %dma_start3A_348 = arith.constant 384 : i32
    %dma_start3A_349 = arith.constant 0 : i32
    %dma_start3A_350 = tpu.memref_slice %arg16[%dma_start3A_348, %dma_start3A_349] : memref<512x32xf32, #tpu.memory_space<vmem>> -> memref<128x32xf32, #tpu.memory_space<vmem>>
    %dma_start3A_351 = arith.constant 0 : i32
    %dma_start3A_352 = tpu.memref_slice %arg12[%dma_start3A_347, %dma_start3A_351] : memref<4x128xi32, #tpu.memory_space<vmem>> -> memref<1x128xi32, #tpu.memory_space<vmem>>
    %dma_start3A_353 = tpu.memref_squeeze %dma_start3A_352 : memref<1x128xi32, #tpu.memory_space<vmem>> -> memref<128xi32, #tpu.memory_space<vmem>>
    %dma_start3A_354 = arith.constant 0 : i32
    %dma_start3A_355 = arith.constant 0 : i32
    %dma_start3A_356 = tpu.memref_slice %arg7[%dma_start3A_354, %dma_start3A_355] : memref<100000x32xf32, #tpu.memory_space<hbm>> -> memref<100000x32xf32, #tpu.memory_space<hbm>>
    tpu.enqueue_indirect_dma source(%dma_start3A_350 : memref<128x32xf32, #tpu.memory_space<vmem>>) target(%dma_start3A_356 : memref<100000x32xf32, #tpu.memory_space<hbm>>) offsets(%dma_start3A_353 : memref<128xi32, #tpu.memory_space<vmem>>) semaphore(%arg17 : memref<!tpu.dma_semaphore, #tpu.memory_space<semaphore_mem>>)
    %dma_start3A_357 = arith.constant 3 : i32
    %dma_start3A_358 = arith.constant 384 : i32
    %dma_start3A_359 = arith.constant 0 : i32
    %dma_start3A_360 = tpu.memref_slice %arg15[%dma_start3A_358, %dma_start3A_359] : memref<512x32xf32, #tpu.memory_space<vmem>> -> memref<128x32xf32, #tpu.memory_space<vmem>>
    %dma_start3A_361 = arith.constant 0 : i32
    %dma_start3A_362 = tpu.memref_slice %arg12[%dma_start3A_357, %dma_start3A_361] : memref<4x128xi32, #tpu.memory_space<vmem>> -> memref<1x128xi32, #tpu.memory_space<vmem>>
    %dma_start3A_363 = tpu.memref_squeeze %dma_start3A_362 : memref<1x128xi32, #tpu.memory_space<vmem>> -> memref<128xi32, #tpu.memory_space<vmem>>
    %dma_start3A_364 = arith.constant 0 : i32
    %dma_start3A_365 = arith.constant 0 : i32
    %dma_start3A_366 = tpu.memref_slice %arg8[%dma_start3A_364, %dma_start3A_365] : memref<100000x32xf32, #tpu.memory_space<hbm>> -> memref<100000x32xf32, #tpu.memory_space<hbm>>
    tpu.enqueue_indirect_dma source(%dma_start3A_360 : memref<128x32xf32, #tpu.memory_space<vmem>>) target(%dma_start3A_366 : memref<100000x32xf32, #tpu.memory_space<hbm>>) offsets(%dma_start3A_363 : memref<128xi32, #tpu.memory_space<vmem>>) semaphore(%arg17 : memref<!tpu.dma_semaphore, #tpu.memory_space<semaphore_mem>>)
    %dma_wait3A_367 = arith.constant 0 : i32
    %dma_wait3A_368 = arith.constant 0 : i32
    %dma_wait3A_369 = arith.constant 0 : i32
    %dma_wait3A_370 = tpu.memref_slice %arg14[%dma_wait3A_368, %dma_wait3A_369] : memref<512x128xf32, #tpu.memory_space<vmem>> -> memref<128x128xf32, #tpu.memory_space<vmem>>
    %dma_wait3A_371 = arith.constant 0 : i32
    %dma_wait3A_372 = tpu.memref_slice %arg12[%dma_wait3A_367, %dma_wait3A_371] : memref<4x128xi32, #tpu.memory_space<vmem>> -> memref<1x128xi32, #tpu.memory_space<vmem>>
    %dma_wait3A_373 = tpu.memref_squeeze %dma_wait3A_372 : memref<1x128xi32, #tpu.memory_space<vmem>> -> memref<128xi32, #tpu.memory_space<vmem>>
    %dma_wait3A_374 = arith.constant 0 : i32
    %dma_wait3A_375 = arith.constant 0 : i32
    %dma_wait3A_376 = tpu.memref_slice %arg6[%dma_wait3A_374, %dma_wait3A_375] : memref<100000x128xf32, #tpu.memory_space<hbm>> -> memref<100000x128xf32, #tpu.memory_space<hbm>>
    tpu.wait_indirect_dma semaphore(%arg17 : memref<!tpu.dma_semaphore, #tpu.memory_space<semaphore_mem>>) src(%dma_wait3A_370 : memref<128x128xf32, #tpu.memory_space<vmem>>) dst(%dma_wait3A_376 : memref<100000x128xf32, #tpu.memory_space<hbm>>)
    %dma_wait3A_377 = arith.constant 0 : i32
    %dma_wait3A_378 = arith.constant 0 : i32
    %dma_wait3A_379 = arith.constant 0 : i32
    %dma_wait3A_380 = tpu.memref_slice %arg16[%dma_wait3A_378, %dma_wait3A_379] : memref<512x32xf32, #tpu.memory_space<vmem>> -> memref<128x32xf32, #tpu.memory_space<vmem>>
    %dma_wait3A_381 = arith.constant 0 : i32
    %dma_wait3A_382 = tpu.memref_slice %arg12[%dma_wait3A_377, %dma_wait3A_381] : memref<4x128xi32, #tpu.memory_space<vmem>> -> memref<1x128xi32, #tpu.memory_space<vmem>>
    %dma_wait3A_383 = tpu.memref_squeeze %dma_wait3A_382 : memref<1x128xi32, #tpu.memory_space<vmem>> -> memref<128xi32, #tpu.memory_space<vmem>>
    %dma_wait3A_384 = arith.constant 0 : i32
    %dma_wait3A_385 = arith.constant 0 : i32
    %dma_wait3A_386 = tpu.memref_slice %arg7[%dma_wait3A_384, %dma_wait3A_385] : memref<100000x32xf32, #tpu.memory_space<hbm>> -> memref<100000x32xf32, #tpu.memory_space<hbm>>
    tpu.wait_indirect_dma semaphore(%arg17 : memref<!tpu.dma_semaphore, #tpu.memory_space<semaphore_mem>>) src(%dma_wait3A_380 : memref<128x32xf32, #tpu.memory_space<vmem>>) dst(%dma_wait3A_386 : memref<100000x32xf32, #tpu.memory_space<hbm>>)
    %dma_wait3A_387 = arith.constant 0 : i32
    %dma_wait3A_388 = arith.constant 0 : i32
    %dma_wait3A_389 = arith.constant 0 : i32
    %dma_wait3A_390 = tpu.memref_slice %arg15[%dma_wait3A_388, %dma_wait3A_389] : memref<512x32xf32, #tpu.memory_space<vmem>> -> memref<128x32xf32, #tpu.memory_space<vmem>>
    %dma_wait3A_391 = arith.constant 0 : i32
    %dma_wait3A_392 = tpu.memref_slice %arg12[%dma_wait3A_387, %dma_wait3A_391] : memref<4x128xi32, #tpu.memory_space<vmem>> -> memref<1x128xi32, #tpu.memory_space<vmem>>
    %dma_wait3A_393 = tpu.memref_squeeze %dma_wait3A_392 : memref<1x128xi32, #tpu.memory_space<vmem>> -> memref<128xi32, #tpu.memory_space<vmem>>
    %dma_wait3A_394 = arith.constant 0 : i32
    %dma_wait3A_395 = arith.constant 0 : i32
    %dma_wait3A_396 = tpu.memref_slice %arg8[%dma_wait3A_394, %dma_wait3A_395] : memref<100000x32xf32, #tpu.memory_space<hbm>> -> memref<100000x32xf32, #tpu.memory_space<hbm>>
    tpu.wait_indirect_dma semaphore(%arg17 : memref<!tpu.dma_semaphore, #tpu.memory_space<semaphore_mem>>) src(%dma_wait3A_390 : memref<128x32xf32, #tpu.memory_space<vmem>>) dst(%dma_wait3A_396 : memref<100000x32xf32, #tpu.memory_space<hbm>>)
    %dma_wait3A_397 = arith.constant 1 : i32
    %dma_wait3A_398 = arith.constant 128 : i32
    %dma_wait3A_399 = arith.constant 0 : i32
    %dma_wait3A_400 = tpu.memref_slice %arg14[%dma_wait3A_398, %dma_wait3A_399] : memref<512x128xf32, #tpu.memory_space<vmem>> -> memref<128x128xf32, #tpu.memory_space<vmem>>
    %dma_wait3A_401 = arith.constant 0 : i32
    %dma_wait3A_402 = tpu.memref_slice %arg12[%dma_wait3A_397, %dma_wait3A_401] : memref<4x128xi32, #tpu.memory_space<vmem>> -> memref<1x128xi32, #tpu.memory_space<vmem>>
    %dma_wait3A_403 = tpu.memref_squeeze %dma_wait3A_402 : memref<1x128xi32, #tpu.memory_space<vmem>> -> memref<128xi32, #tpu.memory_space<vmem>>
    %dma_wait3A_404 = arith.constant 0 : i32
    %dma_wait3A_405 = arith.constant 0 : i32
    %dma_wait3A_406 = tpu.memref_slice %arg6[%dma_wait3A_404, %dma_wait3A_405] : memref<100000x128xf32, #tpu.memory_space<hbm>> -> memref<100000x128xf32, #tpu.memory_space<hbm>>
    tpu.wait_indirect_dma semaphore(%arg17 : memref<!tpu.dma_semaphore, #tpu.memory_space<semaphore_mem>>) src(%dma_wait3A_400 : memref<128x128xf32, #tpu.memory_space<vmem>>) dst(%dma_wait3A_406 : memref<100000x128xf32, #tpu.memory_space<hbm>>)
    %dma_wait3A_407 = arith.constant 1 : i32
    %dma_wait3A_408 = arith.constant 128 : i32
    %dma_wait3A_409 = arith.constant 0 : i32
    %dma_wait3A_410 = tpu.memref_slice %arg16[%dma_wait3A_408, %dma_wait3A_409] : memref<512x32xf32, #tpu.memory_space<vmem>> -> memref<128x32xf32, #tpu.memory_space<vmem>>
    %dma_wait3A_411 = arith.constant 0 : i32
    %dma_wait3A_412 = tpu.memref_slice %arg12[%dma_wait3A_407, %dma_wait3A_411] : memref<4x128xi32, #tpu.memory_space<vmem>> -> memref<1x128xi32, #tpu.memory_space<vmem>>
    %dma_wait3A_413 = tpu.memref_squeeze %dma_wait3A_412 : memref<1x128xi32, #tpu.memory_space<vmem>> -> memref<128xi32, #tpu.memory_space<vmem>>
    %dma_wait3A_414 = arith.constant 0 : i32
    %dma_wait3A_415 = arith.constant 0 : i32
    %dma_wait3A_416 = tpu.memref_slice %arg7[%dma_wait3A_414, %dma_wait3A_415] : memref<100000x32xf32, #tpu.memory_space<hbm>> -> memref<100000x32xf32, #tpu.memory_space<hbm>>
    tpu.wait_indirect_dma semaphore(%arg17 : memref<!tpu.dma_semaphore, #tpu.memory_space<semaphore_mem>>) src(%dma_wait3A_410 : memref<128x32xf32, #tpu.memory_space<vmem>>) dst(%dma_wait3A_416 : memref<100000x32xf32, #tpu.memory_space<hbm>>)
    %dma_wait3A_417 = arith.constant 1 : i32
    %dma_wait3A_418 = arith.constant 128 : i32
    %dma_wait3A_419 = arith.constant 0 : i32
    %dma_wait3A_420 = tpu.memref_slice %arg15[%dma_wait3A_418, %dma_wait3A_419] : memref<512x32xf32, #tpu.memory_space<vmem>> -> memref<128x32xf32, #tpu.memory_space<vmem>>
    %dma_wait3A_421 = arith.constant 0 : i32
    %dma_wait3A_422 = tpu.memref_slice %arg12[%dma_wait3A_417, %dma_wait3A_421] : memref<4x128xi32, #tpu.memory_space<vmem>> -> memref<1x128xi32, #tpu.memory_space<vmem>>
    %dma_wait3A_423 = tpu.memref_squeeze %dma_wait3A_422 : memref<1x128xi32, #tpu.memory_space<vmem>> -> memref<128xi32, #tpu.memory_space<vmem>>
    %dma_wait3A_424 = arith.constant 0 : i32
    %dma_wait3A_425 = arith.constant 0 : i32
    %dma_wait3A_426 = tpu.memref_slice %arg8[%dma_wait3A_424, %dma_wait3A_425] : memref<100000x32xf32, #tpu.memory_space<hbm>> -> memref<100000x32xf32, #tpu.memory_space<hbm>>
    tpu.wait_indirect_dma semaphore(%arg17 : memref<!tpu.dma_semaphore, #tpu.memory_space<semaphore_mem>>) src(%dma_wait3A_420 : memref<128x32xf32, #tpu.memory_space<vmem>>) dst(%dma_wait3A_426 : memref<100000x32xf32, #tpu.memory_space<hbm>>)
    %dma_wait3A_427 = arith.constant 2 : i32
    %dma_wait3A_428 = arith.constant 256 : i32
    %dma_wait3A_429 = arith.constant 0 : i32
    %dma_wait3A_430 = tpu.memref_slice %arg14[%dma_wait3A_428, %dma_wait3A_429] : memref<512x128xf32, #tpu.memory_space<vmem>> -> memref<128x128xf32, #tpu.memory_space<vmem>>
    %dma_wait3A_431 = arith.constant 0 : i32
    %dma_wait3A_432 = tpu.memref_slice %arg12[%dma_wait3A_427, %dma_wait3A_431] : memref<4x128xi32, #tpu.memory_space<vmem>> -> memref<1x128xi32, #tpu.memory_space<vmem>>
    %dma_wait3A_433 = tpu.memref_squeeze %dma_wait3A_432 : memref<1x128xi32, #tpu.memory_space<vmem>> -> memref<128xi32, #tpu.memory_space<vmem>>
    %dma_wait3A_434 = arith.constant 0 : i32
    %dma_wait3A_435 = arith.constant 0 : i32
    %dma_wait3A_436 = tpu.memref_slice %arg6[%dma_wait3A_434, %dma_wait3A_435] : memref<100000x128xf32, #tpu.memory_space<hbm>> -> memref<100000x128xf32, #tpu.memory_space<hbm>>
    tpu.wait_indirect_dma semaphore(%arg17 : memref<!tpu.dma_semaphore, #tpu.memory_space<semaphore_mem>>) src(%dma_wait3A_430 : memref<128x128xf32, #tpu.memory_space<vmem>>) dst(%dma_wait3A_436 : memref<100000x128xf32, #tpu.memory_space<hbm>>)
    %dma_wait3A_437 = arith.constant 2 : i32
    %dma_wait3A_438 = arith.constant 256 : i32
    %dma_wait3A_439 = arith.constant 0 : i32
    %dma_wait3A_440 = tpu.memref_slice %arg16[%dma_wait3A_438, %dma_wait3A_439] : memref<512x32xf32, #tpu.memory_space<vmem>> -> memref<128x32xf32, #tpu.memory_space<vmem>>
    %dma_wait3A_441 = arith.constant 0 : i32
    %dma_wait3A_442 = tpu.memref_slice %arg12[%dma_wait3A_437, %dma_wait3A_441] : memref<4x128xi32, #tpu.memory_space<vmem>> -> memref<1x128xi32, #tpu.memory_space<vmem>>
    %dma_wait3A_443 = tpu.memref_squeeze %dma_wait3A_442 : memref<1x128xi32, #tpu.memory_space<vmem>> -> memref<128xi32, #tpu.memory_space<vmem>>
    %dma_wait3A_444 = arith.constant 0 : i32
    %dma_wait3A_445 = arith.constant 0 : i32
    %dma_wait3A_446 = tpu.memref_slice %arg7[%dma_wait3A_444, %dma_wait3A_445] : memref<100000x32xf32, #tpu.memory_space<hbm>> -> memref<100000x32xf32, #tpu.memory_space<hbm>>
    tpu.wait_indirect_dma semaphore(%arg17 : memref<!tpu.dma_semaphore, #tpu.memory_space<semaphore_mem>>) src(%dma_wait3A_440 : memref<128x32xf32, #tpu.memory_space<vmem>>) dst(%dma_wait3A_446 : memref<100000x32xf32, #tpu.memory_space<hbm>>)
    %dma_wait3A_447 = arith.constant 2 : i32
    %dma_wait3A_448 = arith.constant 256 : i32
    %dma_wait3A_449 = arith.constant 0 : i32
    %dma_wait3A_450 = tpu.memref_slice %arg15[%dma_wait3A_448, %dma_wait3A_449] : memref<512x32xf32, #tpu.memory_space<vmem>> -> memref<128x32xf32, #tpu.memory_space<vmem>>
    %dma_wait3A_451 = arith.constant 0 : i32
    %dma_wait3A_452 = tpu.memref_slice %arg12[%dma_wait3A_447, %dma_wait3A_451] : memref<4x128xi32, #tpu.memory_space<vmem>> -> memref<1x128xi32, #tpu.memory_space<vmem>>
    %dma_wait3A_453 = tpu.memref_squeeze %dma_wait3A_452 : memref<1x128xi32, #tpu.memory_space<vmem>> -> memref<128xi32, #tpu.memory_space<vmem>>
    %dma_wait3A_454 = arith.constant 0 : i32
    %dma_wait3A_455 = arith.constant 0 : i32
    %dma_wait3A_456 = tpu.memref_slice %arg8[%dma_wait3A_454, %dma_wait3A_455] : memref<100000x32xf32, #tpu.memory_space<hbm>> -> memref<100000x32xf32, #tpu.memory_space<hbm>>
    tpu.wait_indirect_dma semaphore(%arg17 : memref<!tpu.dma_semaphore, #tpu.memory_space<semaphore_mem>>) src(%dma_wait3A_450 : memref<128x32xf32, #tpu.memory_space<vmem>>) dst(%dma_wait3A_456 : memref<100000x32xf32, #tpu.memory_space<hbm>>)
    %dma_wait3A_457 = arith.constant 3 : i32
    %dma_wait3A_458 = arith.constant 384 : i32
    %dma_wait3A_459 = arith.constant 0 : i32
    %dma_wait3A_460 = tpu.memref_slice %arg14[%dma_wait3A_458, %dma_wait3A_459] : memref<512x128xf32, #tpu.memory_space<vmem>> -> memref<128x128xf32, #tpu.memory_space<vmem>>
    %dma_wait3A_461 = arith.constant 0 : i32
    %dma_wait3A_462 = tpu.memref_slice %arg12[%dma_wait3A_457, %dma_wait3A_461] : memref<4x128xi32, #tpu.memory_space<vmem>> -> memref<1x128xi32, #tpu.memory_space<vmem>>
    %dma_wait3A_463 = tpu.memref_squeeze %dma_wait3A_462 : memref<1x128xi32, #tpu.memory_space<vmem>> -> memref<128xi32, #tpu.memory_space<vmem>>
    %dma_wait3A_464 = arith.constant 0 : i32
    %dma_wait3A_465 = arith.constant 0 : i32
    %dma_wait3A_466 = tpu.memref_slice %arg6[%dma_wait3A_464, %dma_wait3A_465] : memref<100000x128xf32, #tpu.memory_space<hbm>> -> memref<100000x128xf32, #tpu.memory_space<hbm>>
    tpu.wait_indirect_dma semaphore(%arg17 : memref<!tpu.dma_semaphore, #tpu.memory_space<semaphore_mem>>) src(%dma_wait3A_460 : memref<128x128xf32, #tpu.memory_space<vmem>>) dst(%dma_wait3A_466 : memref<100000x128xf32, #tpu.memory_space<hbm>>)
    %dma_wait3A_467 = arith.constant 3 : i32
    %dma_wait3A_468 = arith.constant 384 : i32
    %dma_wait3A_469 = arith.constant 0 : i32
    %dma_wait3A_470 = tpu.memref_slice %arg16[%dma_wait3A_468, %dma_wait3A_469] : memref<512x32xf32, #tpu.memory_space<vmem>> -> memref<128x32xf32, #tpu.memory_space<vmem>>
    %dma_wait3A_471 = arith.constant 0 : i32
    %dma_wait3A_472 = tpu.memref_slice %arg12[%dma_wait3A_467, %dma_wait3A_471] : memref<4x128xi32, #tpu.memory_space<vmem>> -> memref<1x128xi32, #tpu.memory_space<vmem>>
    %dma_wait3A_473 = tpu.memref_squeeze %dma_wait3A_472 : memref<1x128xi32, #tpu.memory_space<vmem>> -> memref<128xi32, #tpu.memory_space<vmem>>
    %dma_wait3A_474 = arith.constant 0 : i32
    %dma_wait3A_475 = arith.constant 0 : i32
    %dma_wait3A_476 = tpu.memref_slice %arg7[%dma_wait3A_474, %dma_wait3A_475] : memref<100000x32xf32, #tpu.memory_space<hbm>> -> memref<100000x32xf32, #tpu.memory_space<hbm>>
    tpu.wait_indirect_dma semaphore(%arg17 : memref<!tpu.dma_semaphore, #tpu.memory_space<semaphore_mem>>) src(%dma_wait3A_470 : memref<128x32xf32, #tpu.memory_space<vmem>>) dst(%dma_wait3A_476 : memref<100000x32xf32, #tpu.memory_space<hbm>>)
    %dma_wait3A_477 = arith.constant 3 : i32
    %dma_wait3A_478 = arith.constant 384 : i32
    %dma_wait3A_479 = arith.constant 0 : i32
    %dma_wait3A_480 = tpu.memref_slice %arg15[%dma_wait3A_478, %dma_wait3A_479] : memref<512x32xf32, #tpu.memory_space<vmem>> -> memref<128x32xf32, #tpu.memory_space<vmem>>
    %dma_wait3A_481 = arith.constant 0 : i32
    %dma_wait3A_482 = tpu.memref_slice %arg12[%dma_wait3A_477, %dma_wait3A_481] : memref<4x128xi32, #tpu.memory_space<vmem>> -> memref<1x128xi32, #tpu.memory_space<vmem>>
    %dma_wait3A_483 = tpu.memref_squeeze %dma_wait3A_482 : memref<1x128xi32, #tpu.memory_space<vmem>> -> memref<128xi32, #tpu.memory_space<vmem>>
    %dma_wait3A_484 = arith.constant 0 : i32
    %dma_wait3A_485 = arith.constant 0 : i32
    %dma_wait3A_486 = tpu.memref_slice %arg8[%dma_wait3A_484, %dma_wait3A_485] : memref<100000x32xf32, #tpu.memory_space<hbm>> -> memref<100000x32xf32, #tpu.memory_space<hbm>>
    tpu.wait_indirect_dma semaphore(%arg17 : memref<!tpu.dma_semaphore, #tpu.memory_space<semaphore_mem>>) src(%dma_wait3A_480 : memref<128x32xf32, #tpu.memory_space<vmem>>) dst(%dma_wait3A_486 : memref<100000x32xf32, #tpu.memory_space<hbm>>)
    return
  }
}

#map = affine_map<(d0, d1) -> (0)>
#map1 = affine_map<(d0, d1) -> (0, 0)>
module attributes {stable_mosaic.version = 14 : i64} {
  func.func @new_body(%arg0: i32, %arg1: i32, %arg2: memref<16384xi32, #tpu.memory_space<hbm>>, %arg3: memref<100000x32xf32, #tpu.memory_space<hbm>>, %arg4: memref<100000x32xf32, #tpu.memory_space<hbm>>, %arg5: memref<100000x128xf32, #tpu.memory_space<hbm>>, %arg6: memref<16384x128xf32, #tpu.memory_space<hbm>>, %arg7: memref<16384x128xf32, #tpu.memory_space<hbm>>, %arg8: memref<100352xi32, #tpu.memory_space<hbm>>, %arg9: memref<100000x32xf32, #tpu.memory_space<hbm>>, %arg10: memref<100000x32xf32, #tpu.memory_space<hbm>>, %arg11: memref<100000x128xf32, #tpu.memory_space<hbm>>, %arg12: memref<16384xi32, #tpu.memory_space<vmem>>, %arg13: memref<3136xi32, #tpu.memory_space<vmem>>, %arg14: memref<512x32xf32, #tpu.memory_space<vmem>>, %arg15: memref<512x32xf32, #tpu.memory_space<vmem>>, %arg16: memref<512x128xf32, #tpu.memory_space<vmem>>, %arg17: memref<!tpu.dma_semaphore, #tpu.memory_space<semaphore_mem>>) attributes {dimension_semantics = [#tpu.dimension_semantics<core_parallel>, #tpu.dimension_semantics<subcore_parallel>], iteration_bounds = array<i64: 2, 16>, scalar_prefetch = 0 : i64, scratch_operands = 6 : i64, tpu.core_type = #tpu.core_type<sc_vector_subcore>, window_params = [{transform_indices = #map}, {transform_indices = #map1}, {transform_indices = #map1}, {transform_indices = #map1}, {transform_indices = #map1}, {transform_indices = #map1}, {transform_indices = #map}, {transform_indices = #map1}, {transform_indices = #map1}, {transform_indices = #map1}]} {
    %mul3A = arith.constant 2 : i32
    %mul3A_0 = arith.muli %arg1, %mul3A : i32
    %add3A = arith.addi %mul3A_0, %arg0 : i32
    %mul3A_1 = arith.constant 512 : i32
    %mul3A_2 = arith.muli %add3A, %mul3A_1 : i32
    "tpu.region"() ({
      %run_scoped3A = tpu.sem_alloc : memref<!tpu.dma_semaphore, #tpu.memory_space<semaphore_mem>>
      tpu.enqueue_dma source(%arg2 : memref<16384xi32, #tpu.memory_space<hbm>>) target(%arg12 : memref<16384xi32, #tpu.memory_space<vmem>>) target_semaphore(%run_scoped3A : memref<!tpu.dma_semaphore, #tpu.memory_space<semaphore_mem>>)
      tpu.wait_dma2 semaphore(%run_scoped3A : memref<!tpu.dma_semaphore, #tpu.memory_space<semaphore_mem>>) src(%arg2 : memref<16384xi32, #tpu.memory_space<hbm>>) dst(%arg12 : memref<16384xi32, #tpu.memory_space<vmem>>)
      tpu.yield
    }) : () -> ()
    %add3A_3 = arith.constant 0 : i32
    %add3A_4 = arith.addi %mul3A_2, %add3A_3 : i32
    %dma_start3A = arith.constant 0 : i32
    %dma_start3A_5 = arith.constant 0 : i32
    %dma_start3A_6 = tpu.memref_slice %arg14[%dma_start3A, %dma_start3A_5] : memref<512x32xf32, #tpu.memory_space<vmem>> -> memref<128x32xf32, #tpu.memory_space<vmem>>
    %dma_start3A_7 = tpu.memref_slice %arg12[%add3A_4] : memref<16384xi32, #tpu.memory_space<vmem>> -> memref<128xi32, #tpu.memory_space<vmem>>
    %dma_start3A_8 = arith.constant 0 : i32
    %dma_start3A_9 = arith.constant 0 : i32
    %dma_start3A_10 = tpu.memref_slice %arg3[%dma_start3A_8, %dma_start3A_9] : memref<100000x32xf32, #tpu.memory_space<hbm>> -> memref<100000x32xf32, #tpu.memory_space<hbm>>
    tpu.enqueue_indirect_dma source(%dma_start3A_10 : memref<100000x32xf32, #tpu.memory_space<hbm>>) target(%dma_start3A_6 : memref<128x32xf32, #tpu.memory_space<vmem>>) offsets(%dma_start3A_7 : memref<128xi32, #tpu.memory_space<vmem>>) semaphore(%arg17 : memref<!tpu.dma_semaphore, #tpu.memory_space<semaphore_mem>>)
    %dma_start3A_11 = arith.constant 0 : i32
    %dma_start3A_12 = arith.constant 0 : i32
    %dma_start3A_13 = tpu.memref_slice %arg15[%dma_start3A_11, %dma_start3A_12] : memref<512x32xf32, #tpu.memory_space<vmem>> -> memref<128x32xf32, #tpu.memory_space<vmem>>
    %dma_start3A_14 = tpu.memref_slice %arg12[%add3A_4] : memref<16384xi32, #tpu.memory_space<vmem>> -> memref<128xi32, #tpu.memory_space<vmem>>
    %dma_start3A_15 = arith.constant 0 : i32
    %dma_start3A_16 = arith.constant 0 : i32
    %dma_start3A_17 = tpu.memref_slice %arg4[%dma_start3A_15, %dma_start3A_16] : memref<100000x32xf32, #tpu.memory_space<hbm>> -> memref<100000x32xf32, #tpu.memory_space<hbm>>
    tpu.enqueue_indirect_dma source(%dma_start3A_17 : memref<100000x32xf32, #tpu.memory_space<hbm>>) target(%dma_start3A_13 : memref<128x32xf32, #tpu.memory_space<vmem>>) offsets(%dma_start3A_14 : memref<128xi32, #tpu.memory_space<vmem>>) semaphore(%arg17 : memref<!tpu.dma_semaphore, #tpu.memory_space<semaphore_mem>>)
    %dma_start3A_18 = arith.constant 0 : i32
    %dma_start3A_19 = arith.constant 0 : i32
    %dma_start3A_20 = tpu.memref_slice %arg16[%dma_start3A_18, %dma_start3A_19] : memref<512x128xf32, #tpu.memory_space<vmem>> -> memref<128x128xf32, #tpu.memory_space<vmem>>
    %dma_start3A_21 = tpu.memref_slice %arg12[%add3A_4] : memref<16384xi32, #tpu.memory_space<vmem>> -> memref<128xi32, #tpu.memory_space<vmem>>
    %dma_start3A_22 = arith.constant 0 : i32
    %dma_start3A_23 = arith.constant 0 : i32
    %dma_start3A_24 = tpu.memref_slice %arg5[%dma_start3A_22, %dma_start3A_23] : memref<100000x128xf32, #tpu.memory_space<hbm>> -> memref<100000x128xf32, #tpu.memory_space<hbm>>
    tpu.enqueue_indirect_dma source(%dma_start3A_24 : memref<100000x128xf32, #tpu.memory_space<hbm>>) target(%dma_start3A_20 : memref<128x128xf32, #tpu.memory_space<vmem>>) offsets(%dma_start3A_21 : memref<128xi32, #tpu.memory_space<vmem>>) semaphore(%arg17 : memref<!tpu.dma_semaphore, #tpu.memory_space<semaphore_mem>>)
    %add3A_25 = arith.constant 128 : i32
    %add3A_26 = arith.addi %mul3A_2, %add3A_25 : i32
    %dma_start3A_27 = arith.constant 128 : i32
    %dma_start3A_28 = arith.constant 0 : i32
    %dma_start3A_29 = tpu.memref_slice %arg14[%dma_start3A_27, %dma_start3A_28] : memref<512x32xf32, #tpu.memory_space<vmem>> -> memref<128x32xf32, #tpu.memory_space<vmem>>
    %dma_start3A_30 = tpu.memref_slice %arg12[%add3A_26] : memref<16384xi32, #tpu.memory_space<vmem>> -> memref<128xi32, #tpu.memory_space<vmem>>
    %dma_start3A_31 = arith.constant 0 : i32
    %dma_start3A_32 = arith.constant 0 : i32
    %dma_start3A_33 = tpu.memref_slice %arg3[%dma_start3A_31, %dma_start3A_32] : memref<100000x32xf32, #tpu.memory_space<hbm>> -> memref<100000x32xf32, #tpu.memory_space<hbm>>
    tpu.enqueue_indirect_dma source(%dma_start3A_33 : memref<100000x32xf32, #tpu.memory_space<hbm>>) target(%dma_start3A_29 : memref<128x32xf32, #tpu.memory_space<vmem>>) offsets(%dma_start3A_30 : memref<128xi32, #tpu.memory_space<vmem>>) semaphore(%arg17 : memref<!tpu.dma_semaphore, #tpu.memory_space<semaphore_mem>>)
    %dma_start3A_34 = arith.constant 128 : i32
    %dma_start3A_35 = arith.constant 0 : i32
    %dma_start3A_36 = tpu.memref_slice %arg15[%dma_start3A_34, %dma_start3A_35] : memref<512x32xf32, #tpu.memory_space<vmem>> -> memref<128x32xf32, #tpu.memory_space<vmem>>
    %dma_start3A_37 = tpu.memref_slice %arg12[%add3A_26] : memref<16384xi32, #tpu.memory_space<vmem>> -> memref<128xi32, #tpu.memory_space<vmem>>
    %dma_start3A_38 = arith.constant 0 : i32
    %dma_start3A_39 = arith.constant 0 : i32
    %dma_start3A_40 = tpu.memref_slice %arg4[%dma_start3A_38, %dma_start3A_39] : memref<100000x32xf32, #tpu.memory_space<hbm>> -> memref<100000x32xf32, #tpu.memory_space<hbm>>
    tpu.enqueue_indirect_dma source(%dma_start3A_40 : memref<100000x32xf32, #tpu.memory_space<hbm>>) target(%dma_start3A_36 : memref<128x32xf32, #tpu.memory_space<vmem>>) offsets(%dma_start3A_37 : memref<128xi32, #tpu.memory_space<vmem>>) semaphore(%arg17 : memref<!tpu.dma_semaphore, #tpu.memory_space<semaphore_mem>>)
    %dma_start3A_41 = arith.constant 128 : i32
    %dma_start3A_42 = arith.constant 0 : i32
    %dma_start3A_43 = tpu.memref_slice %arg16[%dma_start3A_41, %dma_start3A_42] : memref<512x128xf32, #tpu.memory_space<vmem>> -> memref<128x128xf32, #tpu.memory_space<vmem>>
    %dma_start3A_44 = tpu.memref_slice %arg12[%add3A_26] : memref<16384xi32, #tpu.memory_space<vmem>> -> memref<128xi32, #tpu.memory_space<vmem>>
    %dma_start3A_45 = arith.constant 0 : i32
    %dma_start3A_46 = arith.constant 0 : i32
    %dma_start3A_47 = tpu.memref_slice %arg5[%dma_start3A_45, %dma_start3A_46] : memref<100000x128xf32, #tpu.memory_space<hbm>> -> memref<100000x128xf32, #tpu.memory_space<hbm>>
    tpu.enqueue_indirect_dma source(%dma_start3A_47 : memref<100000x128xf32, #tpu.memory_space<hbm>>) target(%dma_start3A_43 : memref<128x128xf32, #tpu.memory_space<vmem>>) offsets(%dma_start3A_44 : memref<128xi32, #tpu.memory_space<vmem>>) semaphore(%arg17 : memref<!tpu.dma_semaphore, #tpu.memory_space<semaphore_mem>>)
    %add3A_48 = arith.constant 256 : i32
    %add3A_49 = arith.addi %mul3A_2, %add3A_48 : i32
    %dma_start3A_50 = arith.constant 256 : i32
    %dma_start3A_51 = arith.constant 0 : i32
    %dma_start3A_52 = tpu.memref_slice %arg14[%dma_start3A_50, %dma_start3A_51] : memref<512x32xf32, #tpu.memory_space<vmem>> -> memref<128x32xf32, #tpu.memory_space<vmem>>
    %dma_start3A_53 = tpu.memref_slice %arg12[%add3A_49] : memref<16384xi32, #tpu.memory_space<vmem>> -> memref<128xi32, #tpu.memory_space<vmem>>
    %dma_start3A_54 = arith.constant 0 : i32
    %dma_start3A_55 = arith.constant 0 : i32
    %dma_start3A_56 = tpu.memref_slice %arg3[%dma_start3A_54, %dma_start3A_55] : memref<100000x32xf32, #tpu.memory_space<hbm>> -> memref<100000x32xf32, #tpu.memory_space<hbm>>
    tpu.enqueue_indirect_dma source(%dma_start3A_56 : memref<100000x32xf32, #tpu.memory_space<hbm>>) target(%dma_start3A_52 : memref<128x32xf32, #tpu.memory_space<vmem>>) offsets(%dma_start3A_53 : memref<128xi32, #tpu.memory_space<vmem>>) semaphore(%arg17 : memref<!tpu.dma_semaphore, #tpu.memory_space<semaphore_mem>>)
    %dma_start3A_57 = arith.constant 256 : i32
    %dma_start3A_58 = arith.constant 0 : i32
    %dma_start3A_59 = tpu.memref_slice %arg15[%dma_start3A_57, %dma_start3A_58] : memref<512x32xf32, #tpu.memory_space<vmem>> -> memref<128x32xf32, #tpu.memory_space<vmem>>
    %dma_start3A_60 = tpu.memref_slice %arg12[%add3A_49] : memref<16384xi32, #tpu.memory_space<vmem>> -> memref<128xi32, #tpu.memory_space<vmem>>
    %dma_start3A_61 = arith.constant 0 : i32
    %dma_start3A_62 = arith.constant 0 : i32
    %dma_start3A_63 = tpu.memref_slice %arg4[%dma_start3A_61, %dma_start3A_62] : memref<100000x32xf32, #tpu.memory_space<hbm>> -> memref<100000x32xf32, #tpu.memory_space<hbm>>
    tpu.enqueue_indirect_dma source(%dma_start3A_63 : memref<100000x32xf32, #tpu.memory_space<hbm>>) target(%dma_start3A_59 : memref<128x32xf32, #tpu.memory_space<vmem>>) offsets(%dma_start3A_60 : memref<128xi32, #tpu.memory_space<vmem>>) semaphore(%arg17 : memref<!tpu.dma_semaphore, #tpu.memory_space<semaphore_mem>>)
    %dma_start3A_64 = arith.constant 256 : i32
    %dma_start3A_65 = arith.constant 0 : i32
    %dma_start3A_66 = tpu.memref_slice %arg16[%dma_start3A_64, %dma_start3A_65] : memref<512x128xf32, #tpu.memory_space<vmem>> -> memref<128x128xf32, #tpu.memory_space<vmem>>
    %dma_start3A_67 = tpu.memref_slice %arg12[%add3A_49] : memref<16384xi32, #tpu.memory_space<vmem>> -> memref<128xi32, #tpu.memory_space<vmem>>
    %dma_start3A_68 = arith.constant 0 : i32
    %dma_start3A_69 = arith.constant 0 : i32
    %dma_start3A_70 = tpu.memref_slice %arg5[%dma_start3A_68, %dma_start3A_69] : memref<100000x128xf32, #tpu.memory_space<hbm>> -> memref<100000x128xf32, #tpu.memory_space<hbm>>
    tpu.enqueue_indirect_dma source(%dma_start3A_70 : memref<100000x128xf32, #tpu.memory_space<hbm>>) target(%dma_start3A_66 : memref<128x128xf32, #tpu.memory_space<vmem>>) offsets(%dma_start3A_67 : memref<128xi32, #tpu.memory_space<vmem>>) semaphore(%arg17 : memref<!tpu.dma_semaphore, #tpu.memory_space<semaphore_mem>>)
    %add3A_71 = arith.constant 384 : i32
    %add3A_72 = arith.addi %mul3A_2, %add3A_71 : i32
    %dma_start3A_73 = arith.constant 384 : i32
    %dma_start3A_74 = arith.constant 0 : i32
    %dma_start3A_75 = tpu.memref_slice %arg14[%dma_start3A_73, %dma_start3A_74] : memref<512x32xf32, #tpu.memory_space<vmem>> -> memref<128x32xf32, #tpu.memory_space<vmem>>
    %dma_start3A_76 = tpu.memref_slice %arg12[%add3A_72] : memref<16384xi32, #tpu.memory_space<vmem>> -> memref<128xi32, #tpu.memory_space<vmem>>
    %dma_start3A_77 = arith.constant 0 : i32
    %dma_start3A_78 = arith.constant 0 : i32
    %dma_start3A_79 = tpu.memref_slice %arg3[%dma_start3A_77, %dma_start3A_78] : memref<100000x32xf32, #tpu.memory_space<hbm>> -> memref<100000x32xf32, #tpu.memory_space<hbm>>
    tpu.enqueue_indirect_dma source(%dma_start3A_79 : memref<100000x32xf32, #tpu.memory_space<hbm>>) target(%dma_start3A_75 : memref<128x32xf32, #tpu.memory_space<vmem>>) offsets(%dma_start3A_76 : memref<128xi32, #tpu.memory_space<vmem>>) semaphore(%arg17 : memref<!tpu.dma_semaphore, #tpu.memory_space<semaphore_mem>>)
    %dma_start3A_80 = arith.constant 384 : i32
    %dma_start3A_81 = arith.constant 0 : i32
    %dma_start3A_82 = tpu.memref_slice %arg15[%dma_start3A_80, %dma_start3A_81] : memref<512x32xf32, #tpu.memory_space<vmem>> -> memref<128x32xf32, #tpu.memory_space<vmem>>
    %dma_start3A_83 = tpu.memref_slice %arg12[%add3A_72] : memref<16384xi32, #tpu.memory_space<vmem>> -> memref<128xi32, #tpu.memory_space<vmem>>
    %dma_start3A_84 = arith.constant 0 : i32
    %dma_start3A_85 = arith.constant 0 : i32
    %dma_start3A_86 = tpu.memref_slice %arg4[%dma_start3A_84, %dma_start3A_85] : memref<100000x32xf32, #tpu.memory_space<hbm>> -> memref<100000x32xf32, #tpu.memory_space<hbm>>
    tpu.enqueue_indirect_dma source(%dma_start3A_86 : memref<100000x32xf32, #tpu.memory_space<hbm>>) target(%dma_start3A_82 : memref<128x32xf32, #tpu.memory_space<vmem>>) offsets(%dma_start3A_83 : memref<128xi32, #tpu.memory_space<vmem>>) semaphore(%arg17 : memref<!tpu.dma_semaphore, #tpu.memory_space<semaphore_mem>>)
    %dma_start3A_87 = arith.constant 384 : i32
    %dma_start3A_88 = arith.constant 0 : i32
    %dma_start3A_89 = tpu.memref_slice %arg16[%dma_start3A_87, %dma_start3A_88] : memref<512x128xf32, #tpu.memory_space<vmem>> -> memref<128x128xf32, #tpu.memory_space<vmem>>
    %dma_start3A_90 = tpu.memref_slice %arg12[%add3A_72] : memref<16384xi32, #tpu.memory_space<vmem>> -> memref<128xi32, #tpu.memory_space<vmem>>
    %dma_start3A_91 = arith.constant 0 : i32
    %dma_start3A_92 = arith.constant 0 : i32
    %dma_start3A_93 = tpu.memref_slice %arg5[%dma_start3A_91, %dma_start3A_92] : memref<100000x128xf32, #tpu.memory_space<hbm>> -> memref<100000x128xf32, #tpu.memory_space<hbm>>
    tpu.enqueue_indirect_dma source(%dma_start3A_93 : memref<100000x128xf32, #tpu.memory_space<hbm>>) target(%dma_start3A_89 : memref<128x128xf32, #tpu.memory_space<vmem>>) offsets(%dma_start3A_90 : memref<128xi32, #tpu.memory_space<vmem>>) semaphore(%arg17 : memref<!tpu.dma_semaphore, #tpu.memory_space<semaphore_mem>>)
    %iota3A = tpu.iota {dimensions = array<i32: 0>} : vector<16xi32>
    %add3A_94 = arith.constant 1 : i32
    %add3A_95 = vector.broadcast %add3A_94 : i32 to vector<16xi32>
    %add3A_96 = arith.addi %iota3A, %add3A_95 : vector<16xi32>
    %min3A = arith.constant 15 : i32
    %min3A_97 = vector.broadcast %min3A : i32 to vector<16xi32>
    %min3A_98 = arith.minsi %add3A_96, %min3A_97 : vector<16xi32>
    %mul3A_99 = arith.constant 3136 : i32
    %mul3A_100 = arith.muli %add3A, %mul3A_99 : i32
    %scan3A = arith.constant 0 : i32
    %scan3A_101 = arith.constant 1024 : i32
    %scan3A_102 = arith.addi %scan3A, %scan3A_101 : i32
    %scan3A_103 = arith.constant 1 : i32
    scf.for %scan3A_188 = %scan3A to %scan3A_102 step %scan3A_103  : i32 {
      %mul3A_189 = arith.constant 1 : i32
      %mul3A_190 = arith.muli %scan3A_188, %mul3A_189 : i32
      %add3A_191 = arith.constant 0 : i32
      %add3A_192 = arith.addi %add3A_191, %mul3A_190 : i32
      %mul3A_193 = arith.constant 16 : i32
      %mul3A_194 = arith.muli %add3A_192, %mul3A_193 : i32
      %get3A = arith.index_cast %mul3A_194 : i32 to index
      %get3A_195 = tpu.vector_load %arg12[%get3A] {strides = array<i32>} : memref<16384xi32, #tpu.memory_space<vmem>>, vector<16xi32>,
      %mul3A_196 = arith.constant 16384 : i32
      %mul3A_197 = vector.broadcast %mul3A_196 : i32 to vector<16xi32>
      %mul3A_198 = arith.muli %get3A_195, %mul3A_197 : vector<16xi32>
      %mul3A_199 = arith.constant 16 : i32
      %mul3A_200 = arith.muli %add3A_192, %mul3A_199 : i32
      %add3A_201 = vector.broadcast %mul3A_200 : i32 to vector<16xi32>
      %add3A_202 = arith.addi %add3A_201, %iota3A : vector<16xi32>
      %add3A_203 = arith.addi %mul3A_198, %add3A_202 : vector<16xi32>
      %sort3A = arith.constant dense<true> : vector<16xi1>
      %sort3A_204, %sort3A_205, %sort3A_206 = tpu.sort %add3A_203, %add3A_203 masked %sort3A : (vector<16xi32>, vector<16xi32>, vector<16xi1>) -> (vector<16xi1>, vector<16xi32>, vector<16xi32>)
      %shift_right_arithmetic3A = arith.constant 14 : i32
      %shift_right_arithmetic3A_207 = vector.broadcast %shift_right_arithmetic3A : i32 to vector<16xi32>
      %shift_right_arithmetic3A_208 = arith.shrsi %sort3A_205, %shift_right_arithmetic3A_207 : vector<16xi32>
      %and3A = arith.constant 16383 : i32
      %and3A_209 = vector.broadcast %and3A : i32 to vector<16xi32>
      %and3A_210 = arith.andi %sort3A_205, %and3A_209 : vector<16xi32>
      %broadcast_in_dim3A = vector.shape_cast %min3A_98 : vector<16xi32> to vector<16x1xi32>
      %gather3A = vector.shape_cast %broadcast_in_dim3A : vector<16x1xi32> to vector<16xi32>
      %gather3A_211 = tpu.dynamic_gather %sort3A_205[%gather3A] in [0] : vector<16xi32>, vector<16xi32> -> vector<16xi32>
      %shift_right_arithmetic3A_212 = arith.constant 14 : i32
      %shift_right_arithmetic3A_213 = vector.broadcast %shift_right_arithmetic3A_212 : i32 to vector<16xi32>
      %shift_right_arithmetic3A_214 = arith.shrsi %gather3A_211, %shift_right_arithmetic3A_213 : vector<16xi32>
      %ne3A = arith.cmpi ne, %shift_right_arithmetic3A_208, %shift_right_arithmetic3A_214 : vector<16xi32>
      %eq3A = arith.constant 15 : i32
      %eq3A_215 = vector.broadcast %eq3A : i32 to vector<16xi32>
      %eq3A_216 = arith.cmpi eq, %iota3A, %eq3A_215 : vector<16xi32>
      %or3A = arith.ori %ne3A, %eq3A_216 : vector<16xi1>
      %sub3A = vector.broadcast %mul3A_100 : i32 to vector<16xi32>
      %sub3A_217 = arith.subi %shift_right_arithmetic3A_208, %sub3A : vector<16xi32>
      %ge3A = arith.constant 0 : i32
      %ge3A_218 = vector.broadcast %ge3A : i32 to vector<16xi32>
      %ge3A_219 = arith.cmpi sge, %sub3A_217, %ge3A_218 : vector<16xi32>
      %lt3A = arith.constant 3136 : i32
      %lt3A_220 = vector.broadcast %lt3A : i32 to vector<16xi32>
      %lt3A_221 = arith.cmpi slt, %sub3A_217, %lt3A_220 : vector<16xi32>
      %and3A_222 = arith.andi %ge3A_219, %lt3A_221 : vector<16xi1>
      %and3A_223 = arith.andi %or3A, %and3A_222 : vector<16xi1>
      %jit3A = arith.constant 0 : i32
      %jit3A_224 = arith.constant 3135 : i32
      %max3A = vector.broadcast %jit3A : i32 to vector<16xi32>
      %max3A_225 = arith.maxsi %max3A, %sub3A_217 : vector<16xi32>
      %min3A_226 = vector.broadcast %jit3A_224 : i32 to vector<16xi32>
      %min3A_227 = arith.minsi %min3A_226, %max3A_225 : vector<16xi32>
      tpu.vector_store_idx %arg13[%min3A_227], %and3A_210 masked %and3A_223 : memref<3136xi32, #tpu.memory_space<vmem>>[vector<16xi32>], vector<16xi32>, vector<16xi1>
    }
    %scan3A_104 = arith.constant 1024 : i32
    %dma_wait3A = arith.constant 0 : i32
    %dma_wait3A_105 = arith.constant 0 : i32
    %dma_wait3A_106 = tpu.memref_slice %arg14[%dma_wait3A, %dma_wait3A_105] : memref<512x32xf32, #tpu.memory_space<vmem>> -> memref<128x32xf32, #tpu.memory_space<vmem>>
    %dma_wait3A_107 = tpu.memref_slice %arg12[%add3A_4] : memref<16384xi32, #tpu.memory_space<vmem>> -> memref<128xi32, #tpu.memory_space<vmem>>
    %dma_wait3A_108 = arith.constant 0 : i32
    %dma_wait3A_109 = arith.constant 0 : i32
    %dma_wait3A_110 = tpu.memref_slice %arg3[%dma_wait3A_108, %dma_wait3A_109] : memref<100000x32xf32, #tpu.memory_space<hbm>> -> memref<100000x32xf32, #tpu.memory_space<hbm>>
    tpu.wait_indirect_dma semaphore(%arg17 : memref<!tpu.dma_semaphore, #tpu.memory_space<semaphore_mem>>) src(%dma_wait3A_110 : memref<100000x32xf32, #tpu.memory_space<hbm>>) dst(%dma_wait3A_106 : memref<128x32xf32, #tpu.memory_space<vmem>>)
    %dma_wait3A_111 = arith.constant 0 : i32
    %dma_wait3A_112 = arith.constant 0 : i32
    %dma_wait3A_113 = tpu.memref_slice %arg15[%dma_wait3A_111, %dma_wait3A_112] : memref<512x32xf32, #tpu.memory_space<vmem>> -> memref<128x32xf32, #tpu.memory_space<vmem>>
    %dma_wait3A_114 = tpu.memref_slice %arg12[%add3A_4] : memref<16384xi32, #tpu.memory_space<vmem>> -> memref<128xi32, #tpu.memory_space<vmem>>
    %dma_wait3A_115 = arith.constant 0 : i32
    %dma_wait3A_116 = arith.constant 0 : i32
    %dma_wait3A_117 = tpu.memref_slice %arg4[%dma_wait3A_115, %dma_wait3A_116] : memref<100000x32xf32, #tpu.memory_space<hbm>> -> memref<100000x32xf32, #tpu.memory_space<hbm>>
    tpu.wait_indirect_dma semaphore(%arg17 : memref<!tpu.dma_semaphore, #tpu.memory_space<semaphore_mem>>) src(%dma_wait3A_117 : memref<100000x32xf32, #tpu.memory_space<hbm>>) dst(%dma_wait3A_113 : memref<128x32xf32, #tpu.memory_space<vmem>>)
    %dma_wait3A_118 = arith.constant 0 : i32
    %dma_wait3A_119 = arith.constant 0 : i32
    %dma_wait3A_120 = tpu.memref_slice %arg16[%dma_wait3A_118, %dma_wait3A_119] : memref<512x128xf32, #tpu.memory_space<vmem>> -> memref<128x128xf32, #tpu.memory_space<vmem>>
    %dma_wait3A_121 = tpu.memref_slice %arg12[%add3A_4] : memref<16384xi32, #tpu.memory_space<vmem>> -> memref<128xi32, #tpu.memory_space<vmem>>
    %dma_wait3A_122 = arith.constant 0 : i32
    %dma_wait3A_123 = arith.constant 0 : i32
    %dma_wait3A_124 = tpu.memref_slice %arg5[%dma_wait3A_122, %dma_wait3A_123] : memref<100000x128xf32, #tpu.memory_space<hbm>> -> memref<100000x128xf32, #tpu.memory_space<hbm>>
    tpu.wait_indirect_dma semaphore(%arg17 : memref<!tpu.dma_semaphore, #tpu.memory_space<semaphore_mem>>) src(%dma_wait3A_124 : memref<100000x128xf32, #tpu.memory_space<hbm>>) dst(%dma_wait3A_120 : memref<128x128xf32, #tpu.memory_space<vmem>>)
    %dma_wait3A_125 = arith.constant 128 : i32
    %dma_wait3A_126 = arith.constant 0 : i32
    %dma_wait3A_127 = tpu.memref_slice %arg14[%dma_wait3A_125, %dma_wait3A_126] : memref<512x32xf32, #tpu.memory_space<vmem>> -> memref<128x32xf32, #tpu.memory_space<vmem>>
    %dma_wait3A_128 = tpu.memref_slice %arg12[%add3A_26] : memref<16384xi32, #tpu.memory_space<vmem>> -> memref<128xi32, #tpu.memory_space<vmem>>
    %dma_wait3A_129 = arith.constant 0 : i32
    %dma_wait3A_130 = arith.constant 0 : i32
    %dma_wait3A_131 = tpu.memref_slice %arg3[%dma_wait3A_129, %dma_wait3A_130] : memref<100000x32xf32, #tpu.memory_space<hbm>> -> memref<100000x32xf32, #tpu.memory_space<hbm>>
    tpu.wait_indirect_dma semaphore(%arg17 : memref<!tpu.dma_semaphore, #tpu.memory_space<semaphore_mem>>) src(%dma_wait3A_131 : memref<100000x32xf32, #tpu.memory_space<hbm>>) dst(%dma_wait3A_127 : memref<128x32xf32, #tpu.memory_space<vmem>>)
    %dma_wait3A_132 = arith.constant 128 : i32
    %dma_wait3A_133 = arith.constant 0 : i32
    %dma_wait3A_134 = tpu.memref_slice %arg15[%dma_wait3A_132, %dma_wait3A_133] : memref<512x32xf32, #tpu.memory_space<vmem>> -> memref<128x32xf32, #tpu.memory_space<vmem>>
    %dma_wait3A_135 = tpu.memref_slice %arg12[%add3A_26] : memref<16384xi32, #tpu.memory_space<vmem>> -> memref<128xi32, #tpu.memory_space<vmem>>
    %dma_wait3A_136 = arith.constant 0 : i32
    %dma_wait3A_137 = arith.constant 0 : i32
    %dma_wait3A_138 = tpu.memref_slice %arg4[%dma_wait3A_136, %dma_wait3A_137] : memref<100000x32xf32, #tpu.memory_space<hbm>> -> memref<100000x32xf32, #tpu.memory_space<hbm>>
    tpu.wait_indirect_dma semaphore(%arg17 : memref<!tpu.dma_semaphore, #tpu.memory_space<semaphore_mem>>) src(%dma_wait3A_138 : memref<100000x32xf32, #tpu.memory_space<hbm>>) dst(%dma_wait3A_134 : memref<128x32xf32, #tpu.memory_space<vmem>>)
    %dma_wait3A_139 = arith.constant 128 : i32
    %dma_wait3A_140 = arith.constant 0 : i32
    %dma_wait3A_141 = tpu.memref_slice %arg16[%dma_wait3A_139, %dma_wait3A_140] : memref<512x128xf32, #tpu.memory_space<vmem>> -> memref<128x128xf32, #tpu.memory_space<vmem>>
    %dma_wait3A_142 = tpu.memref_slice %arg12[%add3A_26] : memref<16384xi32, #tpu.memory_space<vmem>> -> memref<128xi32, #tpu.memory_space<vmem>>
    %dma_wait3A_143 = arith.constant 0 : i32
    %dma_wait3A_144 = arith.constant 0 : i32
    %dma_wait3A_145 = tpu.memref_slice %arg5[%dma_wait3A_143, %dma_wait3A_144] : memref<100000x128xf32, #tpu.memory_space<hbm>> -> memref<100000x128xf32, #tpu.memory_space<hbm>>
    tpu.wait_indirect_dma semaphore(%arg17 : memref<!tpu.dma_semaphore, #tpu.memory_space<semaphore_mem>>) src(%dma_wait3A_145 : memref<100000x128xf32, #tpu.memory_space<hbm>>) dst(%dma_wait3A_141 : memref<128x128xf32, #tpu.memory_space<vmem>>)
    %dma_wait3A_146 = arith.constant 256 : i32
    %dma_wait3A_147 = arith.constant 0 : i32
    %dma_wait3A_148 = tpu.memref_slice %arg14[%dma_wait3A_146, %dma_wait3A_147] : memref<512x32xf32, #tpu.memory_space<vmem>> -> memref<128x32xf32, #tpu.memory_space<vmem>>
    %dma_wait3A_149 = tpu.memref_slice %arg12[%add3A_49] : memref<16384xi32, #tpu.memory_space<vmem>> -> memref<128xi32, #tpu.memory_space<vmem>>
    %dma_wait3A_150 = arith.constant 0 : i32
    %dma_wait3A_151 = arith.constant 0 : i32
    %dma_wait3A_152 = tpu.memref_slice %arg3[%dma_wait3A_150, %dma_wait3A_151] : memref<100000x32xf32, #tpu.memory_space<hbm>> -> memref<100000x32xf32, #tpu.memory_space<hbm>>
    tpu.wait_indirect_dma semaphore(%arg17 : memref<!tpu.dma_semaphore, #tpu.memory_space<semaphore_mem>>) src(%dma_wait3A_152 : memref<100000x32xf32, #tpu.memory_space<hbm>>) dst(%dma_wait3A_148 : memref<128x32xf32, #tpu.memory_space<vmem>>)
    %dma_wait3A_153 = arith.constant 256 : i32
    %dma_wait3A_154 = arith.constant 0 : i32
    %dma_wait3A_155 = tpu.memref_slice %arg15[%dma_wait3A_153, %dma_wait3A_154] : memref<512x32xf32, #tpu.memory_space<vmem>> -> memref<128x32xf32, #tpu.memory_space<vmem>>
    %dma_wait3A_156 = tpu.memref_slice %arg12[%add3A_49] : memref<16384xi32, #tpu.memory_space<vmem>> -> memref<128xi32, #tpu.memory_space<vmem>>
    %dma_wait3A_157 = arith.constant 0 : i32
    %dma_wait3A_158 = arith.constant 0 : i32
    %dma_wait3A_159 = tpu.memref_slice %arg4[%dma_wait3A_157, %dma_wait3A_158] : memref<100000x32xf32, #tpu.memory_space<hbm>> -> memref<100000x32xf32, #tpu.memory_space<hbm>>
    tpu.wait_indirect_dma semaphore(%arg17 : memref<!tpu.dma_semaphore, #tpu.memory_space<semaphore_mem>>) src(%dma_wait3A_159 : memref<100000x32xf32, #tpu.memory_space<hbm>>) dst(%dma_wait3A_155 : memref<128x32xf32, #tpu.memory_space<vmem>>)
    %dma_wait3A_160 = arith.constant 256 : i32
    %dma_wait3A_161 = arith.constant 0 : i32
    %dma_wait3A_162 = tpu.memref_slice %arg16[%dma_wait3A_160, %dma_wait3A_161] : memref<512x128xf32, #tpu.memory_space<vmem>> -> memref<128x128xf32, #tpu.memory_space<vmem>>
    %dma_wait3A_163 = tpu.memref_slice %arg12[%add3A_49] : memref<16384xi32, #tpu.memory_space<vmem>> -> memref<128xi32, #tpu.memory_space<vmem>>
    %dma_wait3A_164 = arith.constant 0 : i32
    %dma_wait3A_165 = arith.constant 0 : i32
    %dma_wait3A_166 = tpu.memref_slice %arg5[%dma_wait3A_164, %dma_wait3A_165] : memref<100000x128xf32, #tpu.memory_space<hbm>> -> memref<100000x128xf32, #tpu.memory_space<hbm>>
    tpu.wait_indirect_dma semaphore(%arg17 : memref<!tpu.dma_semaphore, #tpu.memory_space<semaphore_mem>>) src(%dma_wait3A_166 : memref<100000x128xf32, #tpu.memory_space<hbm>>) dst(%dma_wait3A_162 : memref<128x128xf32, #tpu.memory_space<vmem>>)
    %dma_wait3A_167 = arith.constant 384 : i32
    %dma_wait3A_168 = arith.constant 0 : i32
    %dma_wait3A_169 = tpu.memref_slice %arg14[%dma_wait3A_167, %dma_wait3A_168] : memref<512x32xf32, #tpu.memory_space<vmem>> -> memref<128x32xf32, #tpu.memory_space<vmem>>
    %dma_wait3A_170 = tpu.memref_slice %arg12[%add3A_72] : memref<16384xi32, #tpu.memory_space<vmem>> -> memref<128xi32, #tpu.memory_space<vmem>>
    %dma_wait3A_171 = arith.constant 0 : i32
    %dma_wait3A_172 = arith.constant 0 : i32
    %dma_wait3A_173 = tpu.memref_slice %arg3[%dma_wait3A_171, %dma_wait3A_172] : memref<100000x32xf32, #tpu.memory_space<hbm>> -> memref<100000x32xf32, #tpu.memory_space<hbm>>
    tpu.wait_indirect_dma semaphore(%arg17 : memref<!tpu.dma_semaphore, #tpu.memory_space<semaphore_mem>>) src(%dma_wait3A_173 : memref<100000x32xf32, #tpu.memory_space<hbm>>) dst(%dma_wait3A_169 : memref<128x32xf32, #tpu.memory_space<vmem>>)
    %dma_wait3A_174 = arith.constant 384 : i32
    %dma_wait3A_175 = arith.constant 0 : i32
    %dma_wait3A_176 = tpu.memref_slice %arg15[%dma_wait3A_174, %dma_wait3A_175] : memref<512x32xf32, #tpu.memory_space<vmem>> -> memref<128x32xf32, #tpu.memory_space<vmem>>
    %dma_wait3A_177 = tpu.memref_slice %arg12[%add3A_72] : memref<16384xi32, #tpu.memory_space<vmem>> -> memref<128xi32, #tpu.memory_space<vmem>>
    %dma_wait3A_178 = arith.constant 0 : i32
    %dma_wait3A_179 = arith.constant 0 : i32
    %dma_wait3A_180 = tpu.memref_slice %arg4[%dma_wait3A_178, %dma_wait3A_179] : memref<100000x32xf32, #tpu.memory_space<hbm>> -> memref<100000x32xf32, #tpu.memory_space<hbm>>
    tpu.wait_indirect_dma semaphore(%arg17 : memref<!tpu.dma_semaphore, #tpu.memory_space<semaphore_mem>>) src(%dma_wait3A_180 : memref<100000x32xf32, #tpu.memory_space<hbm>>) dst(%dma_wait3A_176 : memref<128x32xf32, #tpu.memory_space<vmem>>)
    %dma_wait3A_181 = arith.constant 384 : i32
    %dma_wait3A_182 = arith.constant 0 : i32
    %dma_wait3A_183 = tpu.memref_slice %arg16[%dma_wait3A_181, %dma_wait3A_182] : memref<512x128xf32, #tpu.memory_space<vmem>> -> memref<128x128xf32, #tpu.memory_space<vmem>>
    %dma_wait3A_184 = tpu.memref_slice %arg12[%add3A_72] : memref<16384xi32, #tpu.memory_space<vmem>> -> memref<128xi32, #tpu.memory_space<vmem>>
    %dma_wait3A_185 = arith.constant 0 : i32
    %dma_wait3A_186 = arith.constant 0 : i32
    %dma_wait3A_187 = tpu.memref_slice %arg5[%dma_wait3A_185, %dma_wait3A_186] : memref<100000x128xf32, #tpu.memory_space<hbm>> -> memref<100000x128xf32, #tpu.memory_space<hbm>>
    tpu.wait_indirect_dma semaphore(%arg17 : memref<!tpu.dma_semaphore, #tpu.memory_space<semaphore_mem>>) src(%dma_wait3A_187 : memref<100000x128xf32, #tpu.memory_space<hbm>>) dst(%dma_wait3A_183 : memref<128x128xf32, #tpu.memory_space<vmem>>)
    "tpu.region"() ({
      %run_scoped3A = tpu.sem_alloc : memref<!tpu.dma_semaphore, #tpu.memory_space<semaphore_mem>>
      %dma_start3A_188 = arith.constant 0 : i32
      %dma_start3A_189 = tpu.memref_slice %arg6[%mul3A_2, %dma_start3A_188] : memref<16384x128xf32, #tpu.memory_space<hbm>> -> memref<512x32xf32, #tpu.memory_space<hbm>>
      %dma_start3A_190 = arith.constant 0 : i32
      %dma_start3A_191 = tpu.memref_slice %arg6[%mul3A_2, %dma_start3A_190] : memref<16384x128xf32, #tpu.memory_space<hbm>> -> memref<512x32xf32, #tpu.memory_space<hbm>>
      tpu.enqueue_dma source(%arg14 : memref<512x32xf32, #tpu.memory_space<vmem>>) target(%dma_start3A_191 : memref<512x32xf32, #tpu.memory_space<hbm>>) target_semaphore(%run_scoped3A : memref<!tpu.dma_semaphore, #tpu.memory_space<semaphore_mem>>)
      %dma_wait3A_192 = arith.constant 0 : i32
      %dma_wait3A_193 = tpu.memref_slice %arg6[%mul3A_2, %dma_wait3A_192] : memref<16384x128xf32, #tpu.memory_space<hbm>> -> memref<512x32xf32, #tpu.memory_space<hbm>>
      %dma_wait3A_194 = arith.constant 0 : i32
      %dma_wait3A_195 = tpu.memref_slice %arg6[%mul3A_2, %dma_wait3A_194] : memref<16384x128xf32, #tpu.memory_space<hbm>> -> memref<512x32xf32, #tpu.memory_space<hbm>>
      tpu.wait_dma2 semaphore(%run_scoped3A : memref<!tpu.dma_semaphore, #tpu.memory_space<semaphore_mem>>) src(%arg14 : memref<512x32xf32, #tpu.memory_space<vmem>>) dst(%dma_wait3A_195 : memref<512x32xf32, #tpu.memory_space<hbm>>)
      tpu.yield
    }) : () -> ()
    "tpu.region"() ({
      %run_scoped3A = tpu.sem_alloc : memref<!tpu.dma_semaphore, #tpu.memory_space<semaphore_mem>>
      %dma_start3A_188 = arith.constant 32 : i32
      %dma_start3A_189 = tpu.memref_slice %arg6[%mul3A_2, %dma_start3A_188] : memref<16384x128xf32, #tpu.memory_space<hbm>> -> memref<512x32xf32, #tpu.memory_space<hbm>>
      %dma_start3A_190 = arith.constant 32 : i32
      %dma_start3A_191 = tpu.memref_slice %arg6[%mul3A_2, %dma_start3A_190] : memref<16384x128xf32, #tpu.memory_space<hbm>> -> memref<512x32xf32, #tpu.memory_space<hbm>>
      tpu.enqueue_dma source(%arg15 : memref<512x32xf32, #tpu.memory_space<vmem>>) target(%dma_start3A_191 : memref<512x32xf32, #tpu.memory_space<hbm>>) target_semaphore(%run_scoped3A : memref<!tpu.dma_semaphore, #tpu.memory_space<semaphore_mem>>)
      %dma_wait3A_192 = arith.constant 32 : i32
      %dma_wait3A_193 = tpu.memref_slice %arg6[%mul3A_2, %dma_wait3A_192] : memref<16384x128xf32, #tpu.memory_space<hbm>> -> memref<512x32xf32, #tpu.memory_space<hbm>>
      %dma_wait3A_194 = arith.constant 32 : i32
      %dma_wait3A_195 = tpu.memref_slice %arg6[%mul3A_2, %dma_wait3A_194] : memref<16384x128xf32, #tpu.memory_space<hbm>> -> memref<512x32xf32, #tpu.memory_space<hbm>>
      tpu.wait_dma2 semaphore(%run_scoped3A : memref<!tpu.dma_semaphore, #tpu.memory_space<semaphore_mem>>) src(%arg15 : memref<512x32xf32, #tpu.memory_space<vmem>>) dst(%dma_wait3A_195 : memref<512x32xf32, #tpu.memory_space<hbm>>)
      tpu.yield
    }) : () -> ()
    "tpu.region"() ({
      %run_scoped3A = tpu.sem_alloc : memref<!tpu.dma_semaphore, #tpu.memory_space<semaphore_mem>>
      %dma_start3A_188 = arith.constant 0 : i32
      %dma_start3A_189 = tpu.memref_slice %arg7[%mul3A_2, %dma_start3A_188] : memref<16384x128xf32, #tpu.memory_space<hbm>> -> memref<512x128xf32, #tpu.memory_space<hbm>>
      %dma_start3A_190 = arith.constant 0 : i32
      %dma_start3A_191 = tpu.memref_slice %arg7[%mul3A_2, %dma_start3A_190] : memref<16384x128xf32, #tpu.memory_space<hbm>> -> memref<512x128xf32, #tpu.memory_space<hbm>>
      tpu.enqueue_dma source(%arg16 : memref<512x128xf32, #tpu.memory_space<vmem>>) target(%dma_start3A_191 : memref<512x128xf32, #tpu.memory_space<hbm>>) target_semaphore(%run_scoped3A : memref<!tpu.dma_semaphore, #tpu.memory_space<semaphore_mem>>)
      %dma_wait3A_192 = arith.constant 0 : i32
      %dma_wait3A_193 = tpu.memref_slice %arg7[%mul3A_2, %dma_wait3A_192] : memref<16384x128xf32, #tpu.memory_space<hbm>> -> memref<512x128xf32, #tpu.memory_space<hbm>>
      %dma_wait3A_194 = arith.constant 0 : i32
      %dma_wait3A_195 = tpu.memref_slice %arg7[%mul3A_2, %dma_wait3A_194] : memref<16384x128xf32, #tpu.memory_space<hbm>> -> memref<512x128xf32, #tpu.memory_space<hbm>>
      tpu.wait_dma2 semaphore(%run_scoped3A : memref<!tpu.dma_semaphore, #tpu.memory_space<semaphore_mem>>) src(%arg16 : memref<512x128xf32, #tpu.memory_space<vmem>>) dst(%dma_wait3A_195 : memref<512x128xf32, #tpu.memory_space<hbm>>)
      tpu.yield
    }) : () -> ()
    "tpu.region"() ({
      %run_scoped3A = tpu.sem_alloc : memref<!tpu.dma_semaphore, #tpu.memory_space<semaphore_mem>>
      %dma_start3A_188 = tpu.memref_slice %arg8[%mul3A_100] : memref<100352xi32, #tpu.memory_space<hbm>> -> memref<3136xi32, #tpu.memory_space<hbm>>
      %dma_start3A_189 = tpu.memref_slice %arg8[%mul3A_100] : memref<100352xi32, #tpu.memory_space<hbm>> -> memref<3136xi32, #tpu.memory_space<hbm>>
      tpu.enqueue_dma source(%arg13 : memref<3136xi32, #tpu.memory_space<vmem>>) target(%dma_start3A_189 : memref<3136xi32, #tpu.memory_space<hbm>>) target_semaphore(%run_scoped3A : memref<!tpu.dma_semaphore, #tpu.memory_space<semaphore_mem>>)
      %dma_wait3A_190 = tpu.memref_slice %arg8[%mul3A_100] : memref<100352xi32, #tpu.memory_space<hbm>> -> memref<3136xi32, #tpu.memory_space<hbm>>
      %dma_wait3A_191 = tpu.memref_slice %arg8[%mul3A_100] : memref<100352xi32, #tpu.memory_space<hbm>> -> memref<3136xi32, #tpu.memory_space<hbm>>
      tpu.wait_dma2 semaphore(%run_scoped3A : memref<!tpu.dma_semaphore, #tpu.memory_space<semaphore_mem>>) src(%arg13 : memref<3136xi32, #tpu.memory_space<vmem>>) dst(%dma_wait3A_191 : memref<3136xi32, #tpu.memory_space<hbm>>)
      tpu.yield
    }) : () -> ()
    return
  }
}

module attributes {stable_mosaic.version = 14 : i64} {
  func.func @_tc_stats_body(%arg0: i32, %arg1: memref<2048x32xf32, #tpu.memory_space<vmem>>, %arg2: memref<2048x32xf32, #tpu.memory_space<vmem>>, %arg3: memref<1x32xf32, #tpu.memory_space<vmem>>, %arg4: memref<1x32xf32, #tpu.memory_space<vmem>>) attributes {dimension_semantics = [#tpu.dimension_semantics<arbitrary>], iteration_bounds = array<i64: 8>, scalar_prefetch = 0 : i64, scratch_operands = 0 : i64, tpu.core_type = #tpu.core_type<tc>, window_params = [{transform_indices = @transform_0, window_bounds = array<i64: 2048, 32>}, {transform_indices = @transform_1, window_bounds = array<i64: 2048, 32>}, {pipeline_mode = #tpu.pipeline_mode<synchronous>, transform_indices = @transform_2, window_bounds = array<i64: 1, 32>}, {pipeline_mode = #tpu.pipeline_mode<synchronous>, transform_indices = @transform_3, window_bounds = array<i64: 1, 32>}]} {
    %get3A = arith.constant 0 : index
    %get3A_0 = arith.constant 0 : index
    %get3A_1 = vector.load %arg1[%get3A, %get3A_0] : memref<2048x32xf32, #tpu.memory_space<vmem>>, vector<2048x32xf32>
    %reduce_sum3A = arith.constant dense<0.000000e+00> : vector<32xf32>
    %reduce_sum3A_2 = vector.multi_reduction <add>, %get3A_1, %reduce_sum3A [0] : vector<2048x32xf32> to vector<32xf32>
    %broadcast_in_dim3A = vector.shape_cast %reduce_sum3A_2 : vector<32xf32> to vector<1x32xf32>
    %get3A_3 = arith.constant 0 : index
    %get3A_4 = arith.constant 0 : index
    %get3A_5 = vector.load %arg2[%get3A_3, %get3A_4] : memref<2048x32xf32, #tpu.memory_space<vmem>>, vector<2048x32xf32>
    %reduce_sum3A_6 = arith.constant dense<0.000000e+00> : vector<32xf32>
    %reduce_sum3A_7 = vector.multi_reduction <add>, %get3A_5, %reduce_sum3A_6 [0] : vector<2048x32xf32> to vector<32xf32>
    %broadcast_in_dim3A_8 = vector.shape_cast %reduce_sum3A_7 : vector<32xf32> to vector<1x32xf32>
    %eq3A = arith.constant 0 : i32
    %eq3A_9 = arith.cmpi eq, %arg0, %eq3A : i32
    %convert_element_type3A = arith.extui %eq3A_9 : i1 to i32
    %cond3A = arith.constant 0 : i32
    %cond3A_10 = arith.cmpi ne, %convert_element_type3A, %cond3A : i32
    scf.if %cond3A_10 {
      %swap3A = arith.constant 0 : index
      %swap3A_15 = arith.constant 0 : index
      %swap3A_16 = vector.load %arg3[%swap3A, %swap3A_15] : memref<1x32xf32, #tpu.memory_space<vmem>>, vector<1x32xf32>
      tpu.vector_store %arg3[%swap3A, %swap3A_15], %broadcast_in_dim3A {strides = array<i32>} : memref<1x32xf32, #tpu.memory_space<vmem>>, vector<1x32xf32>,
      %swap3A_17 = arith.constant 0 : index
      %swap3A_18 = arith.constant 0 : index
      %swap3A_19 = vector.load %arg4[%swap3A_17, %swap3A_18] : memref<1x32xf32, #tpu.memory_space<vmem>>, vector<1x32xf32>
      tpu.vector_store %arg4[%swap3A_17, %swap3A_18], %broadcast_in_dim3A_8 {strides = array<i32>} : memref<1x32xf32, #tpu.memory_space<vmem>>, vector<1x32xf32>,
    } else {
    }
    %ne3A = arith.constant 0 : i32
    %ne3A_11 = arith.cmpi ne, %arg0, %ne3A : i32
    %convert_element_type3A_12 = arith.extui %ne3A_11 : i1 to i32
    %cond3A_13 = arith.constant 0 : i32
    %cond3A_14 = arith.cmpi ne, %convert_element_type3A_12, %cond3A_13 : i32
    scf.if %cond3A_14 {
      %get3A_15 = arith.constant 0 : index
      %get3A_16 = arith.constant 0 : index
      %get3A_17 = vector.load %arg3[%get3A_15, %get3A_16] : memref<1x32xf32, #tpu.memory_space<vmem>>, vector<1x32xf32>
      %add3A = arith.addf %get3A_17, %broadcast_in_dim3A : vector<1x32xf32>
      %swap3A = arith.constant 0 : index
      %swap3A_18 = arith.constant 0 : index
      %swap3A_19 = vector.load %arg3[%swap3A, %swap3A_18] : memref<1x32xf32, #tpu.memory_space<vmem>>, vector<1x32xf32>
      tpu.vector_store %arg3[%swap3A, %swap3A_18], %add3A {strides = array<i32>} : memref<1x32xf32, #tpu.memory_space<vmem>>, vector<1x32xf32>,
      %get3A_20 = arith.constant 0 : index
      %get3A_21 = arith.constant 0 : index
      %get3A_22 = vector.load %arg4[%get3A_20, %get3A_21] : memref<1x32xf32, #tpu.memory_space<vmem>>, vector<1x32xf32>
      %add3A_23 = arith.addf %get3A_22, %broadcast_in_dim3A_8 : vector<1x32xf32>
      %swap3A_24 = arith.constant 0 : index
      %swap3A_25 = arith.constant 0 : index
      %swap3A_26 = vector.load %arg4[%swap3A_24, %swap3A_25] : memref<1x32xf32, #tpu.memory_space<vmem>>, vector<1x32xf32>
      tpu.vector_store %arg4[%swap3A_24, %swap3A_25], %add3A_23 {strides = array<i32>} : memref<1x32xf32, #tpu.memory_space<vmem>>, vector<1x32xf32>,
    } else {
    }
    return
  }
  func.func @transform_0(%arg0: i32) -> (i32, i32) {
    %c0_i32 = arith.constant 0 : i32
    %c0_i32_0 = arith.constant 0 : i32
    return %arg0, %c0_i32 : i32, i32
  }
  func.func @transform_1(%arg0: i32) -> (i32, i32) {
    %c0_i32 = arith.constant 0 : i32
    %c0_i32_0 = arith.constant 0 : i32
    return %arg0, %c0_i32 : i32, i32
  }
  func.func @transform_2(%arg0: i32) -> (i32, i32) {
    %c0_i32 = arith.constant 0 : i32
    %c0_i32_0 = arith.constant 0 : i32
    %c0_i32_1 = arith.constant 0 : i32
    return %c0_i32, %c0_i32_0 : i32, i32
  }
  func.func @transform_3(%arg0: i32) -> (i32, i32) {
    %c0_i32 = arith.constant 0 : i32
    %c0_i32_0 = arith.constant 0 : i32
    %c0_i32_1 = arith.constant 0 : i32
    return %c0_i32, %c0_i32_0 : i32, i32
  }
}

module attributes {stable_mosaic.version = 14 : i64} {
  func.func @_tc_main_body(%arg0: i32, %arg1: memref<1x1xf32, #tpu.memory_space<vmem>>, %arg2: memref<2048x128xf32, #tpu.memory_space<vmem>>, %arg3: memref<2048x32xf32, #tpu.memory_space<vmem>>, %arg4: memref<2048x32xf32, #tpu.memory_space<vmem>>, %arg5: memref<2048x128xf32, #tpu.memory_space<vmem>>, %arg6: memref<1x32xf32, #tpu.memory_space<vmem>>, %arg7: memref<1x32xf32, #tpu.memory_space<vmem>>, %arg8: memref<32x32xf32, #tpu.memory_space<vmem>>, %arg9: memref<32x128xf32, #tpu.memory_space<vmem>>, %arg10: memref<32x128xf32, #tpu.memory_space<vmem>>, %arg11: memref<32x128xf32, #tpu.memory_space<vmem>>, %arg12: memref<128x128xf32, #tpu.memory_space<vmem>>, %arg13: memref<1x128xf32, #tpu.memory_space<vmem>>, %arg14: memref<32x128xf32, #tpu.memory_space<vmem>>, %arg15: memref<32x128xf32, #tpu.memory_space<vmem>>, %arg16: memref<128x128xf32, #tpu.memory_space<vmem>>, %arg17: memref<1x128xf32, #tpu.memory_space<vmem>>, %arg18: memref<32x128xf32, #tpu.memory_space<vmem>>, %arg19: memref<32x128xf32, #tpu.memory_space<vmem>>, %arg20: memref<128x128xf32, #tpu.memory_space<vmem>>, %arg21: memref<1x128xf32, #tpu.memory_space<vmem>>, %arg22: memref<2048x128xf32, #tpu.memory_space<vmem>>, %arg23: memref<2048x128xf32, #tpu.memory_space<vmem>>) attributes {dimension_semantics = [#tpu.dimension_semantics<arbitrary>], iteration_bounds = array<i64: 8>, scalar_prefetch = 0 : i64, scratch_operands = 0 : i64, tpu.core_type = #tpu.core_type<tc>, window_params = [{pipeline_mode = #tpu.pipeline_mode<synchronous>, transform_indices = @transform_0, window_bounds = array<i64: 1, 1>}, {transform_indices = @transform_1, window_bounds = array<i64: 2048, 128>}, {transform_indices = @transform_2, window_bounds = array<i64: 2048, 32>}, {transform_indices = @transform_3, window_bounds = array<i64: 2048, 32>}, {transform_indices = @transform_4, window_bounds = array<i64: 2048, 128>}, {pipeline_mode = #tpu.pipeline_mode<synchronous>, transform_indices = @transform_5, window_bounds = array<i64: 1, 32>}, {pipeline_mode = #tpu.pipeline_mode<synchronous>, transform_indices = @transform_6, window_bounds = array<i64: 1, 32>}, {pipeline_mode = #tpu.pipeline_mode<synchronous>, transform_indices = @transform_7, window_bounds = array<i64: 32, 32>}, {pipeline_mode = #tpu.pipeline_mode<synchronous>, transform_indices = @transform_8, window_bounds = array<i64: 32, 128>}, {pipeline_mode = #tpu.pipeline_mode<synchronous>, transform_indices = @transform_9, window_bounds = array<i64: 32, 128>}, {pipeline_mode = #tpu.pipeline_mode<synchronous>, transform_indices = @transform_10, window_bounds = array<i64: 32, 128>}, {pipeline_mode = #tpu.pipeline_mode<synchronous>, transform_indices = @transform_11, window_bounds = array<i64: 128, 128>}, {pipeline_mode = #tpu.pipeline_mode<synchronous>, transform_indices = @transform_12, window_bounds = array<i64: 1, 128>}, {pipeline_mode = #tpu.pipeline_mode<synchronous>, transform_indices = @transform_13, window_bounds = array<i64: 32, 128>}, {pipeline_mode = #tpu.pipeline_mode<synchronous>, transform_indices = @transform_14, window_bounds = array<i64: 32, 128>}, {pipeline_mode = #tpu.pipeline_mode<synchronous>, transform_indices = @transform_15, window_bounds = array<i64: 128, 128>}, {pipeline_mode = #tpu.pipeline_mode<synchronous>, transform_indices = @transform_16, window_bounds = array<i64: 1, 128>}, {pipeline_mode = #tpu.pipeline_mode<synchronous>, transform_indices = @transform_17, window_bounds = array<i64: 32, 128>}, {pipeline_mode = #tpu.pipeline_mode<synchronous>, transform_indices = @transform_18, window_bounds = array<i64: 32, 128>}, {pipeline_mode = #tpu.pipeline_mode<synchronous>, transform_indices = @transform_19, window_bounds = array<i64: 128, 128>}, {pipeline_mode = #tpu.pipeline_mode<synchronous>, transform_indices = @transform_20, window_bounds = array<i64: 1, 128>}, {transform_indices = @transform_21, window_bounds = array<i64: 2048, 128>}, {transform_indices = @transform_22, window_bounds = array<i64: 2048, 128>}]} {
    %get3A = arith.constant 0 : index
    %get3A_0 = arith.constant 0 : index
    %get3A_1 = vector.load %arg1[%get3A, %get3A_0] : memref<1x1xf32, #tpu.memory_space<vmem>>, vector<1x1xf32>
    %get3A_2 = vector.extract %get3A_1[0, 0] : f32 from vector<1x1xf32>
    %get3A_3 = arith.constant 0 : index
    %get3A_4 = arith.constant 0 : index
    %get3A_5 = vector.load %arg2[%get3A_3, %get3A_4] : memref<2048x128xf32, #tpu.memory_space<vmem>>, vector<2048x128xf32>
    %slice3A = vector.extract_strided_slice %get3A_5 {offsets = [0, 0], sizes = [2048, 32], strides = [1, 1]} : vector<2048x128xf32> to vector<2048x32xf32>
    %slice3A_6 = vector.extract_strided_slice %get3A_5 {offsets = [0, 32], sizes = [2048, 32], strides = [1, 1]} : vector<2048x128xf32> to vector<2048x32xf32>
    %get3A_7 = arith.constant 0 : index
    %get3A_8 = arith.constant 0 : index
    %get3A_9 = vector.load %arg4[%get3A_7, %get3A_8] : memref<2048x32xf32, #tpu.memory_space<vmem>>, vector<2048x32xf32>
    %get3A_10 = arith.constant 0 : index
    %get3A_11 = arith.constant 0 : index
    %get3A_12 = vector.load %arg3[%get3A_10, %get3A_11] : memref<2048x32xf32, #tpu.memory_space<vmem>>, vector<2048x32xf32>
    %sub3A = arith.constant 1.000000e+00 : f32
    %sub3A_13 = vector.broadcast %sub3A : f32 to vector<2048x32xf32>
    %sub3A_14 = arith.subf %sub3A_13, %get3A_9 : vector<2048x32xf32>
    %mul3A = arith.mulf %slice3A_6, %sub3A_14 : vector<2048x32xf32>
    %mul3A_15 = arith.mulf %get3A_12, %get3A_9 : vector<2048x32xf32>
    %add3A = arith.addf %mul3A, %mul3A_15 : vector<2048x32xf32>
    %mul3A_16 = arith.mulf %slice3A, %sub3A_14 : vector<2048x32xf32>
    %mul3A_17 = vector.broadcast %get3A_2 : f32 to vector<2048x32xf32>
    %mul3A_18 = arith.mulf %mul3A_17, %get3A_9 : vector<2048x32xf32>
    %add3A_19 = arith.addf %mul3A_16, %mul3A_18 : vector<2048x32xf32>
    %sub3A_20 = vector.broadcast %get3A_2 : f32 to vector<2048x32xf32>
    %sub3A_21 = arith.subf %sub3A_20, %slice3A : vector<2048x32xf32>
    %get3A_22 = arith.constant 0 : index
    %get3A_23 = arith.constant 0 : index
    %get3A_24 = vector.load %arg8[%get3A_22, %get3A_23] : memref<32x32xf32, #tpu.memory_space<vmem>>, vector<32x32xf32>
    %dot_general3A = arith.constant dense<0.000000e+00> : vector<2048x32xf32>
    %dot_general3A_25 = tpu.matmul %sub3A_21, %get3A_24, %dot_general3A {dimension_numbers = #tpu.dot_dimension_numbers<[1], [0], [0], [1], [0, 0, 1, 1], [], []>, precision = #tpu.contract_precision<fp32>, transpose_lhs_hint = false} : vector<2048x32xf32>, vector<32x32xf32>, vector<2048x32xf32> -> vector<2048x32xf32>
    %max3A = arith.constant 0.000000e+00 : f32
    %max3A_26 = vector.broadcast %max3A : f32 to vector<2048x32xf32>
    %max3A_27 = arith.maximumf %dot_general3A_25, %max3A_26 : vector<2048x32xf32>
    %neg3A = arith.constant 0.000000e+00 : f32
    %neg3A_28 = vector.broadcast %neg3A : f32 to vector<2048x32xf32>
    %neg3A_29 = arith.subf %neg3A_28, %max3A_27 : vector<2048x32xf32>
    %exp3A = math.exp %neg3A_29 : vector<2048x32xf32>
    %get3A_30 = arith.constant 0 : index
    %get3A_31 = arith.constant 0 : index
    %get3A_32 = vector.load %arg9[%get3A_30, %get3A_31] : memref<32x128xf32, #tpu.memory_space<vmem>>, vector<32x128xf32>
    %dot_general3A_33 = arith.constant dense<0.000000e+00> : vector<2048x128xf32>
    %dot_general3A_34 = tpu.matmul %sub3A_21, %get3A_32, %dot_general3A_33 {dimension_numbers = #tpu.dot_dimension_numbers<[1], [0], [0], [1], [0, 0, 1, 1], [], []>, precision = #tpu.contract_precision<fp32>, transpose_lhs_hint = false} : vector<2048x32xf32>, vector<32x128xf32>, vector<2048x128xf32> -> vector<2048x128xf32>
    %max3A_35 = arith.constant 0.000000e+00 : f32
    %max3A_36 = vector.broadcast %max3A_35 : f32 to vector<2048x128xf32>
    %max3A_37 = arith.maximumf %dot_general3A_34, %max3A_36 : vector<2048x128xf32>
    %neg3A_38 = arith.constant 0.000000e+00 : f32
    %neg3A_39 = vector.broadcast %neg3A_38 : f32 to vector<2048x128xf32>
    %neg3A_40 = arith.subf %neg3A_39, %max3A_37 : vector<2048x128xf32>
    %exp3A_41 = math.exp %neg3A_40 : vector<2048x128xf32>
    %concatenate3A = tpu.concatenate %add3A_19, %add3A, %exp3A, %exp3A in 1 : vector<2048x32xf32>, vector<2048x32xf32>, vector<2048x32xf32>, vector<2048x32xf32> -> vector<2048x128xf32>
    %swap3A = arith.constant 0 : index
    %swap3A_42 = arith.constant 0 : index
    %swap3A_43 = vector.load %arg22[%swap3A, %swap3A_42] : memref<2048x128xf32, #tpu.memory_space<vmem>>, vector<2048x128xf32>
    tpu.vector_store %arg22[%swap3A, %swap3A_42], %concatenate3A {strides = array<i32>} : memref<2048x128xf32, #tpu.memory_space<vmem>>, vector<2048x128xf32>,
    %get3A_44 = arith.constant 0 : index
    %get3A_45 = arith.constant 0 : index
    %get3A_46 = vector.load %arg6[%get3A_44, %get3A_45] : memref<1x32xf32, #tpu.memory_space<vmem>>, vector<1x32xf32>
    %get3A_47 = arith.constant 0 : index
    %get3A_48 = arith.constant 0 : index
    %get3A_49 = vector.load %arg7[%get3A_47, %get3A_48] : memref<1x32xf32, #tpu.memory_space<vmem>>, vector<1x32xf32>
    %add3A_50 = arith.constant 1.638400e-02 : f32
    %add3A_51 = vector.broadcast %add3A_50 : f32 to vector<1x32xf32>
    %add3A_52 = arith.addf %get3A_49, %add3A_51 : vector<1x32xf32>
    %div3A = arith.divf %get3A_46, %add3A_52 : vector<1x32xf32>
    %mul3A_53 = arith.mulf %get3A_9, %get3A_12 : vector<2048x32xf32>
    %mul3A_54 = arith.mulf %sub3A_14, %exp3A : vector<2048x32xf32>
    %mul3A_55 = arith.mulf %mul3A_54, %add3A : vector<2048x32xf32>
    %add3A_56 = arith.addf %mul3A_53, %mul3A_55 : vector<2048x32xf32>
    %sub3A_57 = arith.constant 1.000000e+00 : f32
    %sub3A_58 = vector.broadcast %sub3A_57 : f32 to vector<2048x32xf32>
    %sub3A_59 = arith.subf %sub3A_58, %exp3A : vector<2048x32xf32>
    %mul3A_60 = arith.mulf %sub3A_14, %sub3A_59 : vector<2048x32xf32>
    %mul3A_61 = vector.broadcast %div3A : vector<1x32xf32> to vector<2048x32xf32>
    %mul3A_62 = arith.mulf %mul3A_60, %mul3A_61 : vector<2048x32xf32>
    %add3A_63 = arith.addf %add3A_56, %mul3A_62 : vector<2048x32xf32>
    %get3A_64 = arith.constant 0 : index
    %get3A_65 = arith.constant 0 : index
    %get3A_66 = vector.load %arg5[%get3A_64, %get3A_65] : memref<2048x128xf32, #tpu.memory_space<vmem>>, vector<2048x128xf32>
    %mul3A_67 = arith.mulf %exp3A_41, %get3A_66 : vector<2048x128xf32>
    %get3A_68 = arith.constant 0 : index
    %get3A_69 = arith.constant 0 : index
    %get3A_70 = vector.load %arg10[%get3A_68, %get3A_69] : memref<32x128xf32, #tpu.memory_space<vmem>>, vector<32x128xf32>
    %dot_general3A_71 = arith.constant dense<0.000000e+00> : vector<2048x128xf32>
    %dot_general3A_72 = tpu.matmul %add3A_63, %get3A_70, %dot_general3A_71 {dimension_numbers = #tpu.dot_dimension_numbers<[1], [0], [0], [1], [0, 0, 1, 1], [], []>, precision = #tpu.contract_precision<fp32>, transpose_lhs_hint = false} : vector<2048x32xf32>, vector<32x128xf32>, vector<2048x128xf32> -> vector<2048x128xf32>
    %get3A_73 = arith.constant 0 : index
    %get3A_74 = arith.constant 0 : index
    %get3A_75 = vector.load %arg11[%get3A_73, %get3A_74] : memref<32x128xf32, #tpu.memory_space<vmem>>, vector<32x128xf32>
    %dot_general3A_76 = arith.constant dense<0.000000e+00> : vector<2048x128xf32>
    %dot_general3A_77 = tpu.matmul %get3A_9, %get3A_75, %dot_general3A_76 {dimension_numbers = #tpu.dot_dimension_numbers<[1], [0], [0], [1], [0, 0, 1, 1], [], []>, precision = #tpu.contract_precision<fp32>, transpose_lhs_hint = false} : vector<2048x32xf32>, vector<32x128xf32>, vector<2048x128xf32> -> vector<2048x128xf32>
    %add3A_78 = arith.addf %dot_general3A_72, %dot_general3A_77 : vector<2048x128xf32>
    %get3A_79 = arith.constant 0 : index
    %get3A_80 = arith.constant 0 : index
    %get3A_81 = vector.load %arg12[%get3A_79, %get3A_80] : memref<128x128xf32, #tpu.memory_space<vmem>>, vector<128x128xf32>
    %dot_general3A_82 = arith.constant dense<0.000000e+00> : vector<2048x128xf32>
    %dot_general3A_83 = tpu.matmul %mul3A_67, %get3A_81, %dot_general3A_82 {dimension_numbers = #tpu.dot_dimension_numbers<[1], [0], [0], [1], [0, 0, 1, 1], [], []>, precision = #tpu.contract_precision<fp32>, transpose_lhs_hint = false} : vector<2048x128xf32>, vector<128x128xf32>, vector<2048x128xf32> -> vector<2048x128xf32>
    %add3A_84 = arith.addf %add3A_78, %dot_general3A_83 : vector<2048x128xf32>
    %get3A_85 = arith.constant 0 : index
    %get3A_86 = arith.constant 0 : index
    %get3A_87 = vector.load %arg13[%get3A_85, %get3A_86] : memref<1x128xf32, #tpu.memory_space<vmem>>, vector<1x128xf32>
    %add3A_88 = vector.broadcast %get3A_87 : vector<1x128xf32> to vector<2048x128xf32>
    %add3A_89 = arith.addf %add3A_84, %add3A_88 : vector<2048x128xf32>
    %logistic3A = arith.negf %add3A_89 : vector<2048x128xf32>
    %logistic3A_90 = math.exp %logistic3A : vector<2048x128xf32>
    %logistic3A_91 = arith.constant 1.000000e+00 : f32
    %logistic3A_92 = vector.broadcast %logistic3A_91 : f32 to vector<2048x128xf32>
    %logistic3A_93 = arith.addf %logistic3A_92, %logistic3A_90 : vector<2048x128xf32>
    %logistic3A_94 = arith.divf %logistic3A_92, %logistic3A_93 : vector<2048x128xf32>
    %get3A_95 = arith.constant 0 : index
    %get3A_96 = arith.constant 0 : index
    %get3A_97 = vector.load %arg14[%get3A_95, %get3A_96] : memref<32x128xf32, #tpu.memory_space<vmem>>, vector<32x128xf32>
    %dot_general3A_98 = arith.constant dense<0.000000e+00> : vector<2048x128xf32>
    %dot_general3A_99 = tpu.matmul %add3A_63, %get3A_97, %dot_general3A_98 {dimension_numbers = #tpu.dot_dimension_numbers<[1], [0], [0], [1], [0, 0, 1, 1], [], []>, precision = #tpu.contract_precision<fp32>, transpose_lhs_hint = false} : vector<2048x32xf32>, vector<32x128xf32>, vector<2048x128xf32> -> vector<2048x128xf32>
    %get3A_100 = arith.constant 0 : index
    %get3A_101 = arith.constant 0 : index
    %get3A_102 = vector.load %arg15[%get3A_100, %get3A_101] : memref<32x128xf32, #tpu.memory_space<vmem>>, vector<32x128xf32>
    %dot_general3A_103 = arith.constant dense<0.000000e+00> : vector<2048x128xf32>
    %dot_general3A_104 = tpu.matmul %get3A_9, %get3A_102, %dot_general3A_103 {dimension_numbers = #tpu.dot_dimension_numbers<[1], [0], [0], [1], [0, 0, 1, 1], [], []>, precision = #tpu.contract_precision<fp32>, transpose_lhs_hint = false} : vector<2048x32xf32>, vector<32x128xf32>, vector<2048x128xf32> -> vector<2048x128xf32>
    %add3A_105 = arith.addf %dot_general3A_99, %dot_general3A_104 : vector<2048x128xf32>
    %get3A_106 = arith.constant 0 : index
    %get3A_107 = arith.constant 0 : index
    %get3A_108 = vector.load %arg16[%get3A_106, %get3A_107] : memref<128x128xf32, #tpu.memory_space<vmem>>, vector<128x128xf32>
    %dot_general3A_109 = arith.constant dense<0.000000e+00> : vector<2048x128xf32>
    %dot_general3A_110 = tpu.matmul %mul3A_67, %get3A_108, %dot_general3A_109 {dimension_numbers = #tpu.dot_dimension_numbers<[1], [0], [0], [1], [0, 0, 1, 1], [], []>, precision = #tpu.contract_precision<fp32>, transpose_lhs_hint = false} : vector<2048x128xf32>, vector<128x128xf32>, vector<2048x128xf32> -> vector<2048x128xf32>
    %add3A_111 = arith.addf %add3A_105, %dot_general3A_110 : vector<2048x128xf32>
    %get3A_112 = arith.constant 0 : index
    %get3A_113 = arith.constant 0 : index
    %get3A_114 = vector.load %arg17[%get3A_112, %get3A_113] : memref<1x128xf32, #tpu.memory_space<vmem>>, vector<1x128xf32>
    %add3A_115 = vector.broadcast %get3A_114 : vector<1x128xf32> to vector<2048x128xf32>
    %add3A_116 = arith.addf %add3A_111, %add3A_115 : vector<2048x128xf32>
    %logistic3A_117 = arith.negf %add3A_116 : vector<2048x128xf32>
    %logistic3A_118 = math.exp %logistic3A_117 : vector<2048x128xf32>
    %logistic3A_119 = arith.constant 1.000000e+00 : f32
    %logistic3A_120 = vector.broadcast %logistic3A_119 : f32 to vector<2048x128xf32>
    %logistic3A_121 = arith.addf %logistic3A_120, %logistic3A_118 : vector<2048x128xf32>
    %logistic3A_122 = arith.divf %logistic3A_120, %logistic3A_121 : vector<2048x128xf32>
    %get3A_123 = arith.constant 0 : index
    %get3A_124 = arith.constant 0 : index
    %get3A_125 = vector.load %arg18[%get3A_123, %get3A_124] : memref<32x128xf32, #tpu.memory_space<vmem>>, vector<32x128xf32>
    %dot_general3A_126 = arith.constant dense<0.000000e+00> : vector<2048x128xf32>
    %dot_general3A_127 = tpu.matmul %add3A_63, %get3A_125, %dot_general3A_126 {dimension_numbers = #tpu.dot_dimension_numbers<[1], [0], [0], [1], [0, 0, 1, 1], [], []>, precision = #tpu.contract_precision<fp32>, transpose_lhs_hint = false} : vector<2048x32xf32>, vector<32x128xf32>, vector<2048x128xf32> -> vector<2048x128xf32>
    %get3A_128 = arith.constant 0 : index
    %get3A_129 = arith.constant 0 : index
    %get3A_130 = vector.load %arg19[%get3A_128, %get3A_129] : memref<32x128xf32, #tpu.memory_space<vmem>>, vector<32x128xf32>
    %dot_general3A_131 = arith.constant dense<0.000000e+00> : vector<2048x128xf32>
    %dot_general3A_132 = tpu.matmul %get3A_9, %get3A_130, %dot_general3A_131 {dimension_numbers = #tpu.dot_dimension_numbers<[1], [0], [0], [1], [0, 0, 1, 1], [], []>, precision = #tpu.contract_precision<fp32>, transpose_lhs_hint = false} : vector<2048x32xf32>, vector<32x128xf32>, vector<2048x128xf32> -> vector<2048x128xf32>
    %add3A_133 = arith.addf %dot_general3A_127, %dot_general3A_132 : vector<2048x128xf32>
    %mul3A_134 = arith.mulf %logistic3A_122, %mul3A_67 : vector<2048x128xf32>
    %get3A_135 = arith.constant 0 : index
    %get3A_136 = arith.constant 0 : index
    %get3A_137 = vector.load %arg20[%get3A_135, %get3A_136] : memref<128x128xf32, #tpu.memory_space<vmem>>, vector<128x128xf32>
    %dot_general3A_138 = arith.constant dense<0.000000e+00> : vector<2048x128xf32>
    %dot_general3A_139 = tpu.matmul %mul3A_134, %get3A_137, %dot_general3A_138 {dimension_numbers = #tpu.dot_dimension_numbers<[1], [0], [0], [1], [0, 0, 1, 1], [], []>, precision = #tpu.contract_precision<fp32>, transpose_lhs_hint = false} : vector<2048x128xf32>, vector<128x128xf32>, vector<2048x128xf32> -> vector<2048x128xf32>
    %add3A_140 = arith.addf %add3A_133, %dot_general3A_139 : vector<2048x128xf32>
    %get3A_141 = arith.constant 0 : index
    %get3A_142 = arith.constant 0 : index
    %get3A_143 = vector.load %arg21[%get3A_141, %get3A_142] : memref<1x128xf32, #tpu.memory_space<vmem>>, vector<1x128xf32>
    %add3A_144 = vector.broadcast %get3A_143 : vector<1x128xf32> to vector<2048x128xf32>
    %add3A_145 = arith.addf %add3A_140, %add3A_144 : vector<2048x128xf32>
    %tanh3A = math.tanh %add3A_145 : vector<2048x128xf32>
    %sub3A_146 = arith.constant 1.000000e+00 : f32
    %sub3A_147 = vector.broadcast %sub3A_146 : f32 to vector<2048x128xf32>
    %sub3A_148 = arith.subf %sub3A_147, %logistic3A_94 : vector<2048x128xf32>
    %mul3A_149 = arith.mulf %sub3A_148, %mul3A_67 : vector<2048x128xf32>
    %mul3A_150 = arith.mulf %logistic3A_94, %tanh3A : vector<2048x128xf32>
    %add3A_151 = arith.addf %mul3A_149, %mul3A_150 : vector<2048x128xf32>
    %swap3A_152 = arith.constant 0 : index
    %swap3A_153 = arith.constant 0 : index
    %swap3A_154 = vector.load %arg23[%swap3A_152, %swap3A_153] : memref<2048x128xf32, #tpu.memory_space<vmem>>, vector<2048x128xf32>
    tpu.vector_store %arg23[%swap3A_152, %swap3A_153], %add3A_151 {strides = array<i32>} : memref<2048x128xf32, #tpu.memory_space<vmem>>, vector<2048x128xf32>,
    return
  }
  func.func @transform_0(%arg0: i32) -> (i32, i32) {
    %c0_i32 = arith.constant 0 : i32
    %c0_i32_0 = arith.constant 0 : i32
    %c0_i32_1 = arith.constant 0 : i32
    return %c0_i32, %c0_i32_0 : i32, i32
  }
  func.func @transform_1(%arg0: i32) -> (i32, i32) {
    %c0_i32 = arith.constant 0 : i32
    %c0_i32_0 = arith.constant 0 : i32
    return %arg0, %c0_i32 : i32, i32
  }
  func.func @transform_2(%arg0: i32) -> (i32, i32) {
    %c0_i32 = arith.constant 0 : i32
    %c0_i32_0 = arith.constant 0 : i32
    return %arg0, %c0_i32 : i32, i32
  }
  func.func @transform_3(%arg0: i32) -> (i32, i32) {
    %c0_i32 = arith.constant 0 : i32
    %c0_i32_0 = arith.constant 0 : i32
    return %arg0, %c0_i32 : i32, i32
  }
  func.func @transform_4(%arg0: i32) -> (i32, i32) {
    %c0_i32 = arith.constant 0 : i32
    %c0_i32_0 = arith.constant 0 : i32
    return %arg0, %c0_i32 : i32, i32
  }
  func.func @transform_5(%arg0: i32) -> (i32, i32) {
    %c0_i32 = arith.constant 0 : i32
    %c0_i32_0 = arith.constant 0 : i32
    %c0_i32_1 = arith.constant 0 : i32
    return %c0_i32, %c0_i32_0 : i32, i32
  }
  func.func @transform_6(%arg0: i32) -> (i32, i32) {
    %c0_i32 = arith.constant 0 : i32
    %c0_i32_0 = arith.constant 0 : i32
    %c0_i32_1 = arith.constant 0 : i32
    return %c0_i32, %c0_i32_0 : i32, i32
  }
  func.func @transform_7(%arg0: i32) -> (i32, i32) {
    %c0_i32 = arith.constant 0 : i32
    %c0_i32_0 = arith.constant 0 : i32
    %c0_i32_1 = arith.constant 0 : i32
    return %c0_i32, %c0_i32_0 : i32, i32
  }
  func.func @transform_8(%arg0: i32) -> (i32, i32) {
    %c0_i32 = arith.constant 0 : i32
    %c0_i32_0 = arith.constant 0 : i32
    %c0_i32_1 = arith.constant 0 : i32
    return %c0_i32, %c0_i32_0 : i32, i32
  }
  func.func @transform_9(%arg0: i32) -> (i32, i32) {
    %c0_i32 = arith.constant 0 : i32
    %c0_i32_0 = arith.constant 0 : i32
    %c0_i32_1 = arith.constant 0 : i32
    return %c0_i32, %c0_i32_0 : i32, i32
  }
  func.func @transform_10(%arg0: i32) -> (i32, i32) {
    %c0_i32 = arith.constant 0 : i32
    %c0_i32_0 = arith.constant 0 : i32
    %c0_i32_1 = arith.constant 0 : i32
    return %c0_i32, %c0_i32_0 : i32, i32
  }
  func.func @transform_11(%arg0: i32) -> (i32, i32) {
    %c0_i32 = arith.constant 0 : i32
    %c0_i32_0 = arith.constant 0 : i32
    %c0_i32_1 = arith.constant 0 : i32
    return %c0_i32, %c0_i32_0 : i32, i32
  }
  func.func @transform_12(%arg0: i32) -> (i32, i32) {
    %c0_i32 = arith.constant 0 : i32
    %c0_i32_0 = arith.constant 0 : i32
    %c0_i32_1 = arith.constant 0 : i32
    return %c0_i32, %c0_i32_0 : i32, i32
  }
  func.func @transform_13(%arg0: i32) -> (i32, i32) {
    %c0_i32 = arith.constant 0 : i32
    %c0_i32_0 = arith.constant 0 : i32
    %c0_i32_1 = arith.constant 0 : i32
    return %c0_i32, %c0_i32_0 : i32, i32
  }
  func.func @transform_14(%arg0: i32) -> (i32, i32) {
    %c0_i32 = arith.constant 0 : i32
    %c0_i32_0 = arith.constant 0 : i32
    %c0_i32_1 = arith.constant 0 : i32
    return %c0_i32, %c0_i32_0 : i32, i32
  }
  func.func @transform_15(%arg0: i32) -> (i32, i32) {
    %c0_i32 = arith.constant 0 : i32
    %c0_i32_0 = arith.constant 0 : i32
    %c0_i32_1 = arith.constant 0 : i32
    return %c0_i32, %c0_i32_0 : i32, i32
  }
  func.func @transform_16(%arg0: i32) -> (i32, i32) {
    %c0_i32 = arith.constant 0 : i32
    %c0_i32_0 = arith.constant 0 : i32
    %c0_i32_1 = arith.constant 0 : i32
    return %c0_i32, %c0_i32_0 : i32, i32
  }
  func.func @transform_17(%arg0: i32) -> (i32, i32) {
    %c0_i32 = arith.constant 0 : i32
    %c0_i32_0 = arith.constant 0 : i32
    %c0_i32_1 = arith.constant 0 : i32
    return %c0_i32, %c0_i32_0 : i32, i32
  }
  func.func @transform_18(%arg0: i32) -> (i32, i32) {
    %c0_i32 = arith.constant 0 : i32
    %c0_i32_0 = arith.constant 0 : i32
    %c0_i32_1 = arith.constant 0 : i32
    return %c0_i32, %c0_i32_0 : i32, i32
  }
  func.func @transform_19(%arg0: i32) -> (i32, i32) {
    %c0_i32 = arith.constant 0 : i32
    %c0_i32_0 = arith.constant 0 : i32
    %c0_i32_1 = arith.constant 0 : i32
    return %c0_i32, %c0_i32_0 : i32, i32
  }
  func.func @transform_20(%arg0: i32) -> (i32, i32) {
    %c0_i32 = arith.constant 0 : i32
    %c0_i32_0 = arith.constant 0 : i32
    %c0_i32_1 = arith.constant 0 : i32
    return %c0_i32, %c0_i32_0 : i32, i32
  }
  func.func @transform_21(%arg0: i32) -> (i32, i32) {
    %c0_i32 = arith.constant 0 : i32
    %c0_i32_0 = arith.constant 0 : i32
    return %arg0, %c0_i32 : i32, i32
  }
  func.func @transform_22(%arg0: i32) -> (i32, i32) {
    %c0_i32 = arith.constant 0 : i32
    %c0_i32_0 = arith.constant 0 : i32
    return %arg0, %c0_i32 : i32, i32
  }
}

</mosaic_0001>

<sc_bundles>
// kernel: kernel.6.cloned.1.call-start
scs
__scs_entry_jumppad:
0x0: {  	(pc) =	sbr.rel $0x88, $3  }
0x1: {  	(tag) =	ssettag $0x0;
	lr =	simm.s32 $0x1  }
0x2: {  	[smem:$0x3F8F] =	sst lr;
	_ =	strace $0xD0000000  }
0x3: {  	_ = 	snop  }
0x4: {  	_ = 	snop  }
0x5: {  	_ = 	snop  }
0x6: {  	_ = 	snop  }
0x7: {  	_ = 	snop  }
__scs_overlays_trampoline_lowered:
0x8: {  	[smem:$0x3F9E] =	sst s0  }
0x9: {  	[smem:$0x3F9F] =	sst s1  }
0xa: {  	[smem:$0x3FA0] =	sst s2  }
0xb: {  	[smem:$0x3FA1] =	sst s3  }
0xc: {  	[smem:$0x3FA2] =	sst s4  }
0xd: {  	[smem:$0x3FA3] =	sst s5  }
0xe: {  	[smem:$0x3FA4] =	sst s6  }
0xf: {  	[smem:$0x3FA5] =	sst s7  }
0x10: {  	[smem:$0x3FA6] =	sst s8  }
0x11: {  	[smem:$0x3FA7] =	sst s9;
	s0 =	simm.s32 @!p0 $0x0  }
0x12: {  	s1 =	sld [smem:$0x3F8D];
	s0 =	simm.s32 @p0 $0x1  }
0x13: {  	[smem:$0x3FA8] =	sst s0;
	s0 =	simm.s32 @!p1 $0x0  }
0x14: {  	s2 =	sld [smem:$0x3F8C];
	s0 =	simm.s32 @p1 $0x1  }
0x15: {  	[smem:$0x3FA9] =	sst s0;
	s0 =	simm.s32 @!p2 $0x0  }
0x16: {  	s3 =	sld [smem:$0x3FDB];
	s0 =	simm.s32 @p2 $0x1  }
0x17: {  	s4 =	simm.s32 $0x1BF5;
	[smem:$0x3FAB] =	sst s0  }
0x18: {  	s0 =	sld [smem:$0x3F8E];
	_ =	swait.ge [sflag:s4], $0x0  }
0x19: {  	s7 =	sld [smem:$0x3F8F]  }
0x1a: {  	s8 =	sadd.s32 $0xFFFFE003, lr  }
0x1b: {  	s9 =	sadd.s32 $0xFFFFFEF7, lr;
	s5 =	simm.s32 $0xFFFFFFFF;
	p2 =	slt.u32 s8, $0xFFFFF086  }
0x1c: {  	p1 =	slt.u32 s9, $0xF7A;
	s5 =	simm.s32 @!p2 $0x0  }
0x1d: {  	s5 =	simm.s32 @p1 $0x1;
	p0 =	seq.s32 s7, s2  }
0x1e: {  	s7 =	smul.u32 @!p0 $0xF7A, s2;
	p2 =	seq.s32 @!p0 s5, $0x0  }
0x1f: {  	s9 =	smul.u32 $0xF7A, s1;
	s8 =	simm.s32 @!p0 $0x1BF5;
	p2 =	por !p2, p0  }
0x20: {  	[sflag:s8] =	ssyncset.s32 @!p0 $0xFFFFF086;
	s6 =	sadd.s32 @!p0 s3, s7;
	s7 =	simm.s32 @!p0 $0x108  }
0x21: {  	s3 =	sadd.s32 s3, s9;
	s6 =	sadd.s32 @!p0 $0x88, s6;
	s7 =	simm.s32 @p2 $0x1082  }
0x22: {  	[simem:s7], [sflag:s8] =	dma.local @!p0 [hbm:s6], $0xF7A  }
0x23: {  	s9 =	sor.u32 $0xD0000000, s2;
	s6 =	simm.s32 $0x108;
	_ =	swait.ge @!p0 [sflag:s8], $0x0  }
0x24: {  	s3 =	sadd.s32 $0x88, s3;
	s6 =	simm.s32 @!p1 $0x1082;
	[sflag:s4] =	ssyncset.s32 $0xFFFFF086  }
0x25: {  	[simem:s6], [sflag:s4] =	dma.local [hbm:s3], $0xF7A  }
0x26: {  	[smem:$0x3F8F] =	sst s1;
	(tag) =	ssettag s2;
	_ =	strace s9  }
0x27: {  	s1 =	sld [smem:$0x3F9F]  }
0x28: {  	s2 =	sld [smem:$0x3FA0]  }
0x29: {  	s4 =	sld [smem:$0x3FA2]  }
0x2a: {  	p0 =	seq.s32 s5, $0x0;
	s5 =	sld [smem:$0x3FA3]  }
0x2b: {  	s6 =	sld [smem:$0x3FA4]  }
0x2c: {  	s7 =	sld [smem:$0x3FA5]  }
0x2d: {  	s3 =	simm.s32 $0x108;
	s8 =	sld [smem:$0x3FA6]  }
0x2e: {  	s3 =	simm.s32 @!p0 $0x1082;
	s9 =	sld [smem:$0x3FA7]  }
0x2f: {  	lr =	sadd.s32 s0, s3;
	s0 =	sld [smem:$0x3F9E]  }
0x30: {  	s3 =	sld [smem:$0x3FA1]  }
0x31: {  	[smem:$0x3FAA] =	sst s10  }
0x32: {  	s10 =	sld [smem:$0x3FA8];
	_ =	sdelay $0x3  }
0x33: {  	p0 =	seq.s32 s10, $0x1;
	s10 =	sld [smem:$0x3FAA];
	_ =	sdelay $0x3  }
0x34: {  	[smem:$0x3FAA] =	sst s10  }
0x35: {  	s10 =	sld [smem:$0x3FA9];
	_ =	sdelay $0x3  }
0x36: {  	p1 =	seq.s32 s10, $0x1;
	s10 =	sld [smem:$0x3FAA];
	_ =	sdelay $0x3  }
0x37: {  	[smem:$0x3FAA] =	sst s10  }
0x38: {  	s10 =	sld [smem:$0x3FAB]  }
0x39: {  	_ = 	snop;
	(pc) =	sbr.ind lr, $3  }
0x3a: {  	_ = 	snop  }
0x3b: {  	_ = 	snop  }
0x3c: {  	p2 =	seq.s32 s10, $0x1;
	s10 =	sld [smem:$0x3FAA]  }
0x3d: {  	_ =	shalt  }
0x3e: {  	_ =	shalt  }
0x3f: {  	_ =	shalt  }
0x40: {  	_ =	shalt  }
0x41: {  	_ =	shalt  }
0x42: {  	_ =	shalt  }
0x43: {  	_ =	shalt  }
0x44: {  	_ =	shalt  }
0x45: {  	_ =	shalt  }
0x46: {  	_ =	shalt  }
0x47: {  	_ =	shalt  }
0x48: {  	_ =	shalt  }
0x49: {  	_ =	shalt  }
0x4a: {  	_ =	shalt  }
0x4b: {  	_ =	shalt  }
0x4c: {  	_ =	shalt  }
0x4d: {  	_ =	shalt  }
0x4e: {  	_ =	shalt  }
0x4f: {  	_ =	shalt  }
0x50: {  	_ =	shalt  }
0x51: {  	_ =	shalt  }
0x52: {  	_ =	shalt  }
0x53: {  	_ =	shalt  }
0x54: {  	_ =	shalt  }
0x55: {  	_ =	shalt  }
0x56: {  	_ =	shalt  }
0x57: {  	_ =	shalt  }
0x58: {  	_ =	shalt  }
0x59: {  	_ =	shalt  }
0x5a: {  	_ =	shalt  }
0x5b: {  	_ =	shalt  }
0x5c: {  	_ =	shalt  }
0x5d: {  	_ =	shalt  }
0x5e: {  	_ =	shalt  }
0x5f: {  	_ =	shalt  }
0x60: {  	_ =	shalt  }
0x61: {  	_ =	shalt  }
0x62: {  	_ =	shalt  }
0x63: {  	_ =	shalt  }
0x64: {  	_ =	shalt  }
0x65: {  	_ =	shalt  }
0x66: {  	_ =	shalt  }
0x67: {  	_ =	shalt  }
0x68: {  	_ =	shalt  }
0x69: {  	_ =	shalt  }
0x6a: {  	_ =	shalt  }
0x6b: {  	_ =	shalt  }
0x6c: {  	_ =	shalt  }
0x6d: {  	_ =	shalt  }
0x6e: {  	_ =	shalt  }
0x6f: {  	_ =	shalt  }
0x70: {  	_ =	shalt  }
0x71: {  	_ =	shalt  }
0x72: {  	_ =	shalt  }
0x73: {  	_ =	shalt  }
0x74: {  	_ =	shalt  }
0x75: {  	_ =	shalt  }
0x76: {  	_ =	shalt  }
0x77: {  	_ =	shalt  }
0x78: {  	_ =	shalt  }
0x79: {  	_ =	shalt  }
0x7a: {  	_ =	shalt  }
0x7b: {  	_ =	shalt  }
0x7c: {  	_ =	shalt  }
0x7d: {  	_ =	shalt  }
0x7e: {  	_ =	shalt  }
0x7f: {  	_ =	shalt  }
0x80: {  	_ =	shalt  }
0x81: {  	_ =	shalt  }
0x82: {  	_ =	shalt  }
0x83: {  	_ =	shalt  }
0x84: {  	_ =	shalt  }
0x85: {  	_ =	shalt  }
0x86: {  	_ =	shalt  }
0x87: {  	_ =	shalt  }
.Lfunc_end0:
.L_simem_size_0:
called_computation_lowered:
.L_overlay_start_0:
0x88: {  	s2 =	sld [smem:$0x3FD9]  }
0x89: {  	s3 =	sld [smem:$0x3FFE];
	_ =	sdelay $0x1  }
0x8a: {  	s1 =	srdreg.scid  }
0x8b: {  	s0 =	sand.u32 $0x1, s1  }
0x8c: {  	s14 =	sshll.u32 s0, $0xA;
	s2 =	sadd.s32 s3, s2  }
0x8d: {  	s2 =	sadd.s32 s2, s14  }
0x8e: {  	[smem:$0x3FB6] =	sst s2  }
0x8f: {  	_ = 	snop  }
0x90: {  	s2 =	sld [smem:$0x3FD0];
	_ =	sdelay $0x2  }
0x91: {  	s4 =	simm.s32 $0xA;
	s5 =	simm.s32 $0x10;
	s15 =	sld [smem:$0x3FC5]  }
0x92: {  	[smem:s5], [sflag:s4] =	dma.local [hbm:s2], $0x1  }
0x93: {  	_ =	swait.eq [sflag:s4], $0x1  }
0x94: {  	s16 =	sld [smem:$0x10];
	[sflag:s4] =	ssyncset.done $0x0  }
0x95: {  	s17 =	sld [smem:$0x11];
	[sflag:s4] =	ssyncadd.s32 $0xFFFFFFFF  }
0x96: {  	s18 =	sld [smem:$0x12];
	(tm) =	ssettm $0x1  }
0x97: {  	s6 =	sld [smem:$0x3FFB];
	_ =	sdelay $0x3  }
0x98: {  	_ =	strace s6  }
0x99: {  	s6 =	sld [smem:$0x3FFC];
	_ =	sdelay $0x3  }
0x9a: {  	_ =	strace s6  }
0x9b: {  	s6 =	sld [smem:$0x3FFD];
	_ =	sdelay $0x3  }
0x9c: {  	_ =	strace s6  }
0x9d: {  	_ =	strace $0x8FFFFFFF  }
0x9e: {  	s19 =	sld [smem:$0x3FDB];
	_ =	sdelay $0x1  }
0x9f: {  	s7 =	simm.s32 $_scs_section_size  }
0xa0: {  	s8 =	simm.s32 $_size__tile_overlayer_lowered;
	s9 =	simm.s32 $_tile_overlayer_lowered  }
0xa1: {  	s22 =	simm.s32 $0x1BFF;
	s21 =	sshll.u32 s9, $0x1;
	s6 =	sadd.s32 s7, s19  }
0xa2: {  	s10 =	simm.s32 $0x0;
	s20 =	sshll.u32 s8, $0x1;
	s8 =	sadd.s32 s21, s6  }
0xa3: {  	[timem:s10], [sflag:s22] =	dma.local [hbm:s8], s20  }
0xa4: {  	_ =	swait.ge [sflag:s22], s20  }
0xa5: {  	s7 =	ssub.s32 $0x0, s20;
	[sflag:s22] =	ssyncset.done $0x0  }
0xa6: {  	[sflag:s22] =	ssyncadd.s32 s7;
	_ =	sdelay $0x1  }
0xa7: {  	s23 =	simm.s32 $0x1B8B  }
0xa8: {  	_ =	swait.ge [sflag:s23], $0x1  }
0xa9: {  	[sflag:s23] =	ssyncset.done $0x0  }
0xaa: {  	s25 =	simm.s32 $0x1B8E;
	s24 =	sld [smem:$0x3FFE];
	[sflag:s23] =	ssyncadd.s32 $0xFFFFFFFF  }
0xab: {  	s26 =	simm.s32 $execute0_lowered;
	[smem:$0x3FD2] =	sst s25  }
0xac: {  	s8 =	sshll.u32 s26, $0x1;
	_ =	strace $0x80000046;
	[dreg:$0x1] =	wrdreg $0xFFFFFFFF  }
0xad: {  	s28 =	simm.s32 $_size_execute0_lowered;
	s6 =	sadd.s32 s6, s8;
	[dreg:$0x0] =	wrdreg $0x0  }
0xae: {  	s8 =	sshll.u32 s28, $0x1;
	[dreg:$0x2] =	wrdreg s6  }
0xaf: {  	[dreg:$0x3] =	wrdreg s8  }
0xb0: {  	[dreg:$0x4] =	wrdreg $0xC0  }
0xb1: {  	_ =	task [dreg:s10], $0x5FFFF  }
0xb2: {  	[dreg:$0x1] =	wrdreg $0xFFFFFFFF  }
0xb3: {  	[dreg:$0x0] =	wrdreg $0x60  }
0xb4: {  	[dreg:$0x2] =	wrdreg s15  }
0xb5: {  	[dreg:$0x3] =	wrdreg s18  }
0xb6: {  	[dreg:$0x4] =	wrdreg s17  }
0xb7: {  	[dreg:$0x5] =	wrdreg s16  }
0xb8: {  	[dreg:$0x6] =	wrdreg s24  }
0xb9: {  	[dreg:$0x7] =	wrdreg $0x9  }
0xba: {  	_ =	task.clear_ibuf [dreg:s10], $0x8FFFF;
	_ =	strace $0x90000046  }
0xbb: {  	s29 =	simm.s32 $0x9;
	_ =	strace $0x80000048  }
0xbc: {  	_ =	swait.ge [sflag:s29], $0x1  }
0xbd: {  	[sflag:s29] =	ssyncadd.s32 $0xFFFFFFFF  }
0xbe: {  	_ =	strace $0x90000048  }
0xbf: {  	_ =	sfence  }
0xc0: {  	s30 =	sld [smem:$0x0];
	_ =	sdelay $0x2  }
0xc1: {  	s31 =	sshll.u32 s1, $0xD;
	s1 =	sshrl.u32 s1, $0x2  }
0xc2: {  	s3 =	sand.u32 $0x4000, s31;
	s1 =	sadd.s32 s1, s30  }
0xc3: {  	s0 =	sor.u32 s3, s0;
	s1 =	sshll.u32 s1, $0x11  }
0xc4: {  	s0 =	sor.u32 s1, s0  }
0xc5: {  	s0 =	sadd.s32 $0x8F2B, s0  }
0xc6: {  	[sflag:s0] =	ssyncadd.remote.s32 $0x1  }
0xc7: {  	_ =	sfence.sel $0xFFFF  }
0xc8: {  	[dreg:$0x0] =	wrdreg $0xFFFFFFFF;
	(pc) =	sbr.abs _section_cstart, $3  }
0xc9: {  	[dreg:$0x1] =	wrdreg $0xFFFFFFFF  }
0xca: {  	_ =	task.clear_ibuf [dreg:s10], $0x2FFFF;
	_ =	strace $0x9FFFFFFF  }
0xcb: {  	(tm) =	ssettm $0x7FFFFFFF  }
tec
execute0_lowered:
.L_overlay_start_1:
0x0: {  	(tag) =	ssettag $0x1  }
0x1: {  	s2 =	rddreg [dreg:$0x1]  }
0x2: {  	s3 =	rddreg [dreg:$0x2]  }
0x3: {  	s5 =	rddreg [dreg:$0x3]  }
0x4: {  	s0 =	srdreg.scid;
	s4 =	stileid.u32  }
0x5: {  	s1 =	rddreg [dreg:$0x4];
	s6 =	simm.s32 $0x0;
	s16 =	simm.s32 $0x2  }
0x6: {  	s17 =	simm.s32 $0x80;
	s18 =	simm.s32 $0x4C40;
	s19 =	simm.s32 $0x8C40  }
0x7: {  	s20 =	simm.s32 $0xCC40;
	s24 =	simm.s32 $0x6C40;
	s25 =	simm.s32 $0xAC40  }
0x8: {  	s28 =	simm.s32 $0x7C40;
	s29 =	simm.s32 $0xBC40;
	s30 =	simm.s32 $0x18C40  }
0x9: {  	s0 =	sand.u32 $0x1, s0;
	s4 =	sshll.u32 s4, $0x1;
	[smem:$0x7FF] =	sst s6  }
0xa: {  	s31 =	simm.s32 $0x4000;
	s4 =	sor.u32 s0, s4;
	_ =	strace $0x80000047  }
0xb: {  	s0 =	ssub.s32 $0x2, s0;
	s21 =	smul.u32 $0xC40, s4;
	s7 =	sshll.u32 s4, $0xD  }
0xc: {  	v0 =	vimm.s32 $0xFFEDCBA9;
	v1 =	vimm.s32 $0x87654321;
	s8 =	sshrl.u32 s0, $0x1;
	s13 =	sadd.s32 s7, s1;
	s7 =	sshll.u32 s4, $0x9  }
0xd: {  	v0 =	vunpack.c.l.s4.s8 v0;
	v1 =	vunpack.c.l.s4.s8 v1;
	s0 =	ssub.s32 s0, s8;
	s4 =	simm.s32 $0x1;
	s26 =	sshrl.u32 s21, $0x3  }
0xe: {  	s8 =	sor.u32 $0x80, s7;
	s9 =	sor.u32 $0x100, s7;
	s10 =	sor.u32 $0x180, s7  }
0xf: {  	v2 =	vunpack.c.0.s8.s32 v0;
	v3 =	vunpack.c.0.s8.s32 v1;
	s11 =	sadd.s32 $0x4E00, s13;
	s12 =	sadd.s32 $0x4E04, s13;
	s13 =	sadd.s32 $0x44E00, s13  }
0x10: {  	vm0 =	vcmask $0x3F3C;
	s15 =	smax.u32 s0, $0x1;
	s0 =	simm.s32 $0x0;
	s1 =	sadd.s32 s26, s1  }
0x11: {  	v1 =	vlaneseq.u32;
	v0 =	vmov s21;
	v2 =	vcombine.low v3, v2;
	s26 =	simm.s32 $0x14C40;
	s14 =	sadd.s32 $0x84E00, s1;
	s1 =	simm.s32 $0x20  }
.LBB2_1:
0x12: {  	s21 =	rddreg [dreg:$0x0]  }
0x13: {  	[tilespmem:s6], [sflag:$0x2] =	stream.linear.gather [hbm4b:s21+s6], $0x4000, $0x38;
	[tilespmem:$0x1CC40] =	vst v63  }
0x14: {  	_ =	swait.ge [sflag:s16], $0x4000  }
0x15: {  	[sflag:s16] =	ssyncset.done $0x0  }
0x16: {  	[sflag:s16] =	ssyncadd.s32 $0xFFFFC000  }
0x17: {  	[tilespmem:s18], [sflag:$0x1] =	stream.indirect.gather [hbm4b:s2+s17], $0x20, s7, s17, $0xb8;
	[tilespmem:$0x1CC40] =	vst v63  }
0x18: {  	_ = 	snop  }
0x19: {  	[tilespmem:s19], [sflag:$0x1] =	stream.indirect.gather [hbm4b:s3+s17], $0x20, s7, s17, $0xb8;
	[tilespmem:$0x1CC40] =	vst v63  }
0x1a: {  	_ = 	snop  }
0x1b: {  	[tilespmem:s20], [sflag:$0x1] =	stream.indirect.gather [hbm4b:s5+s17], $0x80, s7, s17, $0xb8;
	[tilespmem:$0x1CC40] =	vst v63  }
0x1c: {  	s23 =	simm.s32 $0x5C40  }
0x1d: {  	[tilespmem:s23], [sflag:$0x1] =	stream.indirect.gather [hbm4b:s2+s17], $0x20, s8, s17, $0xb8;
	[tilespmem:$0x1CC40] =	vst v63  }
0x1e: {  	s22 =	simm.s32 $0x9C40  }
0x1f: {  	[tilespmem:s22], [sflag:$0x1] =	stream.indirect.gather [hbm4b:s3+s17], $0x20, s8, s17, $0xb8;
	[tilespmem:$0x1CC40] =	vst v63  }
0x20: {  	s23 =	simm.s32 $0x10C40  }
0x21: {  	[tilespmem:s23], [sflag:$0x1] =	stream.indirect.gather [hbm4b:s5+s17], $0x80, s8, s17, $0xb8;
	[tilespmem:$0x1CC40] =	vst v63  }
0x22: {  	_ = 	snop  }
0x23: {  	[tilespmem:s24], [sflag:$0x1] =	stream.indirect.gather [hbm4b:s2+s17], $0x20, s9, s17, $0xb8;
	[tilespmem:$0x1CC40] =	vst v63  }
0x24: {  	_ = 	snop  }
0x25: {  	[tilespmem:s25], [sflag:$0x1] =	stream.indirect.gather [hbm4b:s3+s17], $0x20, s9, s17, $0xb8;
	[tilespmem:$0x1CC40] =	vst v63  }
0x26: {  	_ = 	snop  }
0x27: {  	[tilespmem:s26], [sflag:$0x1] =	stream.indirect.gather [hbm4b:s5+s17], $0x80, s9, s17, $0xb8;
	[tilespmem:$0x1CC40] =	vst v63  }
0x28: {  	_ = 	snop  }
0x29: {  	[tilespmem:s28], [sflag:$0x1] =	stream.indirect.gather [hbm4b:s2+s17], $0x20, s10, s17, $0xb8;
	[tilespmem:$0x1CC40] =	vst v63  }
0x2a: {  	_ = 	snop  }
0x2b: {  	[tilespmem:s29], [sflag:$0x1] =	stream.indirect.gather [hbm4b:s3+s17], $0x20, s10, s17, $0xb8;
	[tilespmem:$0x1CC40] =	vst v63  }
0x2c: {  	_ = 	snop  }
0x2d: {  	[tilespmem:s30], [sflag:$0x1] =	stream.indirect.gather [hbm4b:s5+s17], $0x80, s10, s17, $0xb8;
	[tilespmem:$0x1CC40] =	vst v63  }
0x2e: {  	s21 =	simm.s32 $0x0;
	s22 =	simm.s32 $0x10;
	s23 =	simm.s32 $0x0;
	v3 =	vld [tilespmem:s6+$0x0]  }
.LBB2_2:
0x2f: {  	p0 =	sne.s32 s22, $0x3FF0;
	_ =	sdelay $0x3  }
0x30: {  	v3 =	vshll.u32 v3, $0xE  }
0x31: {  	v3 =	vadd.s32 s21, v3;
	s21 =	smov.u32 s22  }
0x32: {  	v3 =	vadd.s32 v1, v3  }
0x33: {  	(xrf1) =	vsort.ascd.msk.u32 $0xffff, v3, v3;
	_ =	sdelay $0xd  }
0x34: {  	v3, _, _ =	vpop (xrf1)  }
0x35: {  	v4 =	vperm.xlane v3, v2;
	_ =	sdelay $0x1  }
0x36: {  	v5 =	vshra.s32 v3, $0xE;
	v4 =	vshra.s32 v4, $0xE  }
0x37: {  	vm1 =	vne.s32 v5, v4;
	v4 =	vsub.s32 v5, v0  }
0x38: {  	vm1 =	vmor vm1, vm0;
	vm2 =	vlt.u32 v4, $0xC40;
	vm3 =	vgt.s32 v4, $0x0  }
0x39: {  	vm1 =	vmand vm1, vm2;
	v4 =	vnsel vm3, $0x0, v4  }
0x3a: {  	v4 =	vmin.u32 v4, $0xC3F;
	_ =	sdelay $0x1  }
.Ltmp0:
0x3b: {  	(pc) =	sbr.rel @p0 .LBB2_2-.Ltmp0, $4  }
0x3c: {  	_ = 	snop  }
0x3d: {  	v3 =	vand.u32 $0x3FFF, v3  }
0x3e: {  	s23 =	sadd.s32 $0x10, s23;
	[tilespmem:v4+s31+$0x0] =	vst.idx.msk vm1, v3  }
0x3f: {  	s22 =	sadd.s32 $0x10, s22;
	v3 =	vld [tilespmem:s23+$0x0]  }
0x40: {  	_ =	sdelay $0x3  }
0x41: {  	v3 =	vshll.u32 v3, $0xE  }
0x42: {  	v3 =	vadd.s32 s21, v3  }
0x43: {  	v3 =	vadd.s32 v1, v3  }
0x44: {  	(xrf1) =	vsort.ascd.msk.u32 $0xffff, v3, v3;
	_ =	sdelay $0xd  }
0x45: {  	v3, _, _ =	vpop (xrf1)  }
0x46: {  	v4 =	vperm.xlane v3, v2;
	_ =	sdelay $0x1  }
0x47: {  	v5 =	vshra.s32 v3, $0xE;
	v4 =	vshra.s32 v4, $0xE  }
0x48: {  	v63 =	vsub.s32 v5, v0;
	vm1 =	vne.s32 v5, v4  }
0x49: {  	vm2 =	vlt.u32 v63, $0xC40;
	vm3 =	vgt.s32 v63, $0x0;
	vm1 =	vmor vm1, vm0  }
0x4a: {  	v4 =	vnsel vm3, $0x0, v63;
	vm1 =	vmand vm1, vm2  }
0x4b: {  	v4 =	vmin.u32 v4, $0xC3F;
	_ =	sdelay $0x3  }
0x4c: {  	v3 =	vand.u32 $0x3FFF, v3  }
0x4d: {  	[tilespmem:v4+s31+$0x0] =	vst.idx.msk vm1, v3  }
0x4e: {  	_ =	swait.ge [sflag:s4], $0x1000  }
0x4f: {  	[sflag:s4] =	ssyncset.done $0x0  }
0x50: {  	[sflag:s4] =	ssyncadd.s32 $0xFFFFF000  }
0x51: {  	_ =	swait.ge [sflag:s4], $0x1000  }
0x52: {  	[sflag:s4] =	ssyncset.done $0x0  }
0x53: {  	[sflag:s4] =	ssyncadd.s32 $0xFFFFF000  }
0x54: {  	_ =	swait.ge [sflag:s4], $0x4000  }
0x55: {  	[sflag:s4] =	ssyncset.done $0x0  }
0x56: {  	[sflag:s4] =	ssyncadd.s32 $0xFFFFC000  }
0x57: {  	_ =	swait.ge [sflag:s4], $0x1000  }
0x58: {  	[sflag:s4] =	ssyncset.done $0x0  }
0x59: {  	[sflag:s4] =	ssyncadd.s32 $0xFFFFF000  }
0x5a: {  	_ =	swait.ge [sflag:s4], $0x1000  }
0x5b: {  	[sflag:s4] =	ssyncset.done $0x0  }
0x5c: {  	[sflag:s4] =	ssyncadd.s32 $0xFFFFF000  }
0x5d: {  	_ =	swait.ge [sflag:s4], $0x4000  }
0x5e: {  	[sflag:s4] =	ssyncset.done $0x0  }
0x5f: {  	[sflag:s4] =	ssyncadd.s32 $0xFFFFC000  }
0x60: {  	_ =	swait.ge [sflag:s4], $0x1000  }
0x61: {  	[sflag:s4] =	ssyncset.done $0x0  }
0x62: {  	[sflag:s4] =	ssyncadd.s32 $0xFFFFF000  }
0x63: {  	_ =	swait.ge [sflag:s4], $0x1000  }
0x64: {  	[sflag:s4] =	ssyncset.done $0x0  }
0x65: {  	[sflag:s4] =	ssyncadd.s32 $0xFFFFF000  }
0x66: {  	_ =	swait.ge [sflag:s4], $0x4000  }
0x67: {  	[sflag:s4] =	ssyncset.done $0x0  }
0x68: {  	[sflag:s4] =	ssyncadd.s32 $0xFFFFC000  }
0x69: {  	_ =	swait.ge [sflag:s4], $0x1000  }
0x6a: {  	[sflag:s4] =	ssyncset.done $0x0  }
0x6b: {  	[sflag:s4] =	ssyncadd.s32 $0xFFFFF000  }
0x6c: {  	_ =	swait.ge [sflag:s4], $0x1000  }
0x6d: {  	[sflag:s4] =	ssyncset.done $0x0  }
0x6e: {  	[sflag:s4] =	ssyncadd.s32 $0xFFFFF000  }
0x6f: {  	_ =	swait.ge [sflag:s4], $0x4000  }
0x70: {  	[sflag:s4] =	ssyncset.done $0x0  }
0x71: {  	[sflag:s4] =	ssyncadd.s32 $0xFFFFC000  }
0x72: {  	[hbm4b:s11+s1] =	stream.strided.scatter [tilespmem:s18], [sflag:$0x2], $0x4000, s17, s1, $0x38;
	[tilespmem:$0x1CC40] =	vst v63  }
0x73: {  	_ =	swait.ge [sflag:s16], $0x4000  }
0x74: {  	[sflag:s16] =	ssyncset.done $0x0  }
0x75: {  	[sflag:s16] =	ssyncadd.s32 $0xFFFFC000  }
0x76: {  	[hbm4b:s12+s1] =	stream.strided.scatter [tilespmem:s19], [sflag:$0x2], $0x4000, s17, s1, $0x38;
	[tilespmem:$0x1CC40] =	vst v63  }
0x77: {  	_ =	swait.ge [sflag:s16], $0x4000  }
0x78: {  	[sflag:s16] =	ssyncset.done $0x0  }
0x79: {  	[sflag:s16] =	ssyncadd.s32 $0xFFFFC000  }
0x7a: {  	[hbm4b:s13+s6] =	stream.linear.scatter [tilespmem:s20], [sflag:$0x2], $0x10000, $0x38;
	[tilespmem:$0x1CC40] =	vst v63  }
0x7b: {  	s0 =	sadd.s32 $0x1, s0;
	_ =	swait.ge [sflag:s16], $0x10000  }
0x7c: {  	p0 =	sne.s32 s0, s15;
	[sflag:s16] =	ssyncset.done $0x0  }
.Ltmp1:
0x7d: {  	[sflag:s16] =	ssyncadd.s32 $0xFFFF0000;
	(pc) =	sbr.rel @p0 .LBB2_1-.Ltmp1, $4  }
0x7e: {  	[hbm4b:s14+s6] =	stream.linear.scatter [tilespmem:s31], [sflag:$0x2], $0xC40, $0x38;
	[tilespmem:$0x1CC40] =	vst v63  }
0x7f: {  	_ =	swait.ge [sflag:s16], $0xC40  }
0x80: {  	[sflag:s16] =	ssyncset.done $0x0  }
0x81: {  	[sflag:s16] =	ssyncadd.s32 $0xFFFFF3C0  }
0x82: {  	_ =	sfence.sel $0x180000  }
0x83: {  	[bflag:$0x0] =	sbarrier.arrive $0xFFFF  }
0x84: {  	_ =	strace $0x90000047  }
0x85: {  	s0 =	stileid.u32;
	[bflag:$0x2] =	sbarrier.arrive $0xFFFF  }
0x86: {  	p0 =	sne.s32 s0, $0x0;
	s0 =	rddreg [dreg:$0x5]  }
0x87: {  	s0 =	sadd.s32 @!p0 $0x100000, s0  }
0x88: {  	[sflag:s0] =	ssyncadd.tile.s32 @!p0 $0x1;
	_ =	shalt  }
.Lfunc_end2:
_tile_overlayer_lowered:
.L_overlay_start_2:
0x89: {  	(tag) =	ssettag $0x2  }
0x8a: {  	s0 =	rddreg [dreg:$0x0];
	s2 =	stileid.u32  }
0x8b: {  	s1 =	rddreg [dreg:$0x1];
	p0 =	sne.s32 s2, $0x0  }
0x8c: {  	s3 =	rddreg [dreg:$0x2];
	[bflag:$0x3] =	sbarrier.arrive $0xFFFF;
	s2 =	simm.s32 @!p0 $0x1C02  }
0x8d: {  	[timem:s3], [sflag:s2] =	dma.local @!p0 [hbm:s0], s1  }
0x8e: {  	s0 =	simm.s32 @!p0 $0x2  }
0x8f: {  	_ =	swait.ge @!p0 [sflag:s0], s1  }
0x90: {  	s1 =	ssub.s32 @!p0 $0x0, s1;
	[sflag:s0] =	ssyncset.done @!p0 $0x0  }
0x91: {  	[sflag:s0] =	ssyncadd.s32 @!p0 s1  }
0x92: {  	[bflag:$0x3] =	sbarrier.arrive $0xFFFF  }
0x93: {  	_ =	shalt  }

// kernel: kernel.9.cloned.1.call-start
scs
__scs_entry_jumppad:
0x0: {  	(pc) =	sbr.rel $0x88, $3  }
0x1: {  	(tag) =	ssettag $0x0;
	lr =	simm.s32 $0x1  }
0x2: {  	[smem:$0x3F8F] =	sst lr;
	_ =	strace $0xD0000000  }
0x3: {  	_ = 	snop  }
0x4: {  	_ = 	snop  }
0x5: {  	_ = 	snop  }
0x6: {  	_ = 	snop  }
0x7: {  	_ = 	snop  }
__scs_overlays_trampoline_lowered:
0x8: {  	[smem:$0x3F9E] =	sst s0  }
0x9: {  	[smem:$0x3F9F] =	sst s1  }
0xa: {  	[smem:$0x3FA0] =	sst s2  }
0xb: {  	[smem:$0x3FA1] =	sst s3  }
0xc: {  	[smem:$0x3FA2] =	sst s4  }
0xd: {  	[smem:$0x3FA3] =	sst s5  }
0xe: {  	[smem:$0x3FA4] =	sst s6  }
0xf: {  	[smem:$0x3FA5] =	sst s7  }
0x10: {  	[smem:$0x3FA6] =	sst s8  }
0x11: {  	[smem:$0x3FA7] =	sst s9;
	s0 =	simm.s32 @!p0 $0x0  }
0x12: {  	s1 =	sld [smem:$0x3F8D];
	s0 =	simm.s32 @p0 $0x1  }
0x13: {  	[smem:$0x3FA8] =	sst s0;
	s0 =	simm.s32 @!p1 $0x0  }
0x14: {  	s2 =	sld [smem:$0x3F8C];
	s0 =	simm.s32 @p1 $0x1  }
0x15: {  	[smem:$0x3FA9] =	sst s0;
	s0 =	simm.s32 @!p2 $0x0  }
0x16: {  	s3 =	sld [smem:$0x3FDB];
	s0 =	simm.s32 @p2 $0x1  }
0x17: {  	s4 =	simm.s32 $0x1BF5;
	[smem:$0x3FAB] =	sst s0  }
0x18: {  	s0 =	sld [smem:$0x3F8E];
	_ =	swait.ge [sflag:s4], $0x0  }
0x19: {  	s7 =	sld [smem:$0x3F8F]  }
0x1a: {  	s8 =	sadd.s32 $0xFFFFE003, lr  }
0x1b: {  	s9 =	sadd.s32 $0xFFFFFEF7, lr;
	s5 =	simm.s32 $0xFFFFFFFF;
	p2 =	slt.u32 s8, $0xFFFFF086  }
0x1c: {  	p1 =	slt.u32 s9, $0xF7A;
	s5 =	simm.s32 @!p2 $0x0  }
0x1d: {  	s5 =	simm.s32 @p1 $0x1;
	p0 =	seq.s32 s7, s2  }
0x1e: {  	s7 =	smul.u32 @!p0 $0xF7A, s2;
	p2 =	seq.s32 @!p0 s5, $0x0  }
0x1f: {  	s9 =	smul.u32 $0xF7A, s1;
	s8 =	simm.s32 @!p0 $0x1BF5;
	p2 =	por !p2, p0  }
0x20: {  	[sflag:s8] =	ssyncset.s32 @!p0 $0xFFFFF086;
	s6 =	sadd.s32 @!p0 s3, s7;
	s7 =	simm.s32 @!p0 $0x108  }
0x21: {  	s3 =	sadd.s32 s3, s9;
	s6 =	sadd.s32 @!p0 $0x88, s6;
	s7 =	simm.s32 @p2 $0x1082  }
0x22: {  	[simem:s7], [sflag:s8] =	dma.local @!p0 [hbm:s6], $0xF7A  }
0x23: {  	s9 =	sor.u32 $0xD0000000, s2;
	s6 =	simm.s32 $0x108;
	_ =	swait.ge @!p0 [sflag:s8], $0x0  }
0x24: {  	s3 =	sadd.s32 $0x88, s3;
	s6 =	simm.s32 @!p1 $0x1082;
	[sflag:s4] =	ssyncset.s32 $0xFFFFF086  }
0x25: {  	[simem:s6], [sflag:s4] =	dma.local [hbm:s3], $0xF7A  }
0x26: {  	[smem:$0x3F8F] =	sst s1;
	(tag) =	ssettag s2;
	_ =	strace s9  }
0x27: {  	s1 =	sld [smem:$0x3F9F]  }
0x28: {  	s2 =	sld [smem:$0x3FA0]  }
0x29: {  	s4 =	sld [smem:$0x3FA2]  }
0x2a: {  	p0 =	seq.s32 s5, $0x0;
	s5 =	sld [smem:$0x3FA3]  }
0x2b: {  	s6 =	sld [smem:$0x3FA4]  }
0x2c: {  	s7 =	sld [smem:$0x3FA5]  }
0x2d: {  	s3 =	simm.s32 $0x108;
	s8 =	sld [smem:$0x3FA6]  }
0x2e: {  	s3 =	simm.s32 @!p0 $0x1082;
	s9 =	sld [smem:$0x3FA7]  }
0x2f: {  	lr =	sadd.s32 s0, s3;
	s0 =	sld [smem:$0x3F9E]  }
0x30: {  	s3 =	sld [smem:$0x3FA1]  }
0x31: {  	[smem:$0x3FAA] =	sst s10  }
0x32: {  	s10 =	sld [smem:$0x3FA8];
	_ =	sdelay $0x3  }
0x33: {  	p0 =	seq.s32 s10, $0x1;
	s10 =	sld [smem:$0x3FAA];
	_ =	sdelay $0x3  }
0x34: {  	[smem:$0x3FAA] =	sst s10  }
0x35: {  	s10 =	sld [smem:$0x3FA9];
	_ =	sdelay $0x3  }
0x36: {  	p1 =	seq.s32 s10, $0x1;
	s10 =	sld [smem:$0x3FAA];
	_ =	sdelay $0x3  }
0x37: {  	[smem:$0x3FAA] =	sst s10  }
0x38: {  	s10 =	sld [smem:$0x3FAB]  }
0x39: {  	_ = 	snop;
	(pc) =	sbr.ind lr, $3  }
0x3a: {  	_ = 	snop  }
0x3b: {  	_ = 	snop  }
0x3c: {  	p2 =	seq.s32 s10, $0x1;
	s10 =	sld [smem:$0x3FAA]  }
0x3d: {  	_ =	shalt  }
0x3e: {  	_ =	shalt  }
0x3f: {  	_ =	shalt  }
0x40: {  	_ =	shalt  }
0x41: {  	_ =	shalt  }
0x42: {  	_ =	shalt  }
0x43: {  	_ =	shalt  }
0x44: {  	_ =	shalt  }
0x45: {  	_ =	shalt  }
0x46: {  	_ =	shalt  }
0x47: {  	_ =	shalt  }
0x48: {  	_ =	shalt  }
0x49: {  	_ =	shalt  }
0x4a: {  	_ =	shalt  }
0x4b: {  	_ =	shalt  }
0x4c: {  	_ =	shalt  }
0x4d: {  	_ =	shalt  }
0x4e: {  	_ =	shalt  }
0x4f: {  	_ =	shalt  }
0x50: {  	_ =	shalt  }
0x51: {  	_ =	shalt  }
0x52: {  	_ =	shalt  }
0x53: {  	_ =	shalt  }
0x54: {  	_ =	shalt  }
0x55: {  	_ =	shalt  }
0x56: {  	_ =	shalt  }
0x57: {  	_ =	shalt  }
0x58: {  	_ =	shalt  }
0x59: {  	_ =	shalt  }
0x5a: {  	_ =	shalt  }
0x5b: {  	_ =	shalt  }
0x5c: {  	_ =	shalt  }
0x5d: {  	_ =	shalt  }
0x5e: {  	_ =	shalt  }
0x5f: {  	_ =	shalt  }
0x60: {  	_ =	shalt  }
0x61: {  	_ =	shalt  }
0x62: {  	_ =	shalt  }
0x63: {  	_ =	shalt  }
0x64: {  	_ =	shalt  }
0x65: {  	_ =	shalt  }
0x66: {  	_ =	shalt  }
0x67: {  	_ =	shalt  }
0x68: {  	_ =	shalt  }
0x69: {  	_ =	shalt  }
0x6a: {  	_ =	shalt  }
0x6b: {  	_ =	shalt  }
0x6c: {  	_ =	shalt  }
0x6d: {  	_ =	shalt  }
0x6e: {  	_ =	shalt  }
0x6f: {  	_ =	shalt  }
0x70: {  	_ =	shalt  }
0x71: {  	_ =	shalt  }
0x72: {  	_ =	shalt  }
0x73: {  	_ =	shalt  }
0x74: {  	_ =	shalt  }
0x75: {  	_ =	shalt  }
0x76: {  	_ =	shalt  }
0x77: {  	_ =	shalt  }
0x78: {  	_ =	shalt  }
0x79: {  	_ =	shalt  }
0x7a: {  	_ =	shalt  }
0x7b: {  	_ =	shalt  }
0x7c: {  	_ =	shalt  }
0x7d: {  	_ =	shalt  }
0x7e: {  	_ =	shalt  }
0x7f: {  	_ =	shalt  }
0x80: {  	_ =	shalt  }
0x81: {  	_ =	shalt  }
0x82: {  	_ =	shalt  }
0x83: {  	_ =	shalt  }
0x84: {  	_ =	shalt  }
0x85: {  	_ =	shalt  }
0x86: {  	_ =	shalt  }
0x87: {  	_ =	shalt  }
.Lfunc_end0:
.L_simem_size_0:
called_computation.1_lowered:
.L_overlay_start_0:
0x88: {  	s2 =	sld [smem:$0x3FD9]  }
0x89: {  	s3 =	sld [smem:$0x3FFE];
	_ =	sdelay $0x1  }
0x8a: {  	s1 =	srdreg.scid  }
0x8b: {  	s0 =	sand.u32 $0x1, s1  }
0x8c: {  	s14 =	sshll.u32 s0, $0xA;
	s2 =	sadd.s32 s3, s2  }
0x8d: {  	s2 =	sadd.s32 s2, s14  }
0x8e: {  	[smem:$0x3FB6] =	sst s2  }
0x8f: {  	_ = 	snop  }
0x90: {  	s2 =	sld [smem:$0x3FD0];
	_ =	sdelay $0x2  }
0x91: {  	s4 =	simm.s32 $0xA;
	s5 =	simm.s32 $0x10;
	s15 =	sld [smem:$0x3FC5]  }
0x92: {  	[smem:s5], [sflag:s4] =	dma.local [hbm:s2], $0x1  }
0x93: {  	_ =	swait.eq [sflag:s4], $0x1  }
0x94: {  	s16 =	sld [smem:$0x10];
	[sflag:s4] =	ssyncset.done $0x0  }
0x95: {  	s17 =	sld [smem:$0x11];
	[sflag:s4] =	ssyncadd.s32 $0xFFFFFFFF  }
0x96: {  	s18 =	sld [smem:$0x12];
	(tm) =	ssettm $0x1  }
0x97: {  	s6 =	sld [smem:$0x3FFB];
	_ =	sdelay $0x3  }
0x98: {  	_ =	strace s6  }
0x99: {  	s6 =	sld [smem:$0x3FFC];
	_ =	sdelay $0x3  }
0x9a: {  	_ =	strace s6  }
0x9b: {  	s6 =	sld [smem:$0x3FFD];
	_ =	sdelay $0x3  }
0x9c: {  	_ =	strace s6  }
0x9d: {  	_ =	strace $0x8FFFFFFF  }
0x9e: {  	s19 =	sld [smem:$0x3FDB];
	_ =	sdelay $0x1  }
0x9f: {  	s7 =	simm.s32 $_scs_section_size  }
0xa0: {  	s8 =	simm.s32 $_size__tile_overlayer_lowered;
	s9 =	simm.s32 $_tile_overlayer_lowered  }
0xa1: {  	s22 =	simm.s32 $0x1BFF;
	s21 =	sshll.u32 s9, $0x1;
	s6 =	sadd.s32 s7, s19  }
0xa2: {  	s10 =	simm.s32 $0x0;
	s20 =	sshll.u32 s8, $0x1;
	s8 =	sadd.s32 s21, s6  }
0xa3: {  	[timem:s10], [sflag:s22] =	dma.local [hbm:s8], s20  }
0xa4: {  	_ =	swait.ge [sflag:s22], s20  }
0xa5: {  	s7 =	ssub.s32 $0x0, s20;
	[sflag:s22] =	ssyncset.done $0x0  }
0xa6: {  	[sflag:s22] =	ssyncadd.s32 s7;
	_ =	sdelay $0x1  }
0xa7: {  	s23 =	simm.s32 $0x1B8B  }
0xa8: {  	_ =	swait.ge [sflag:s23], $0x1  }
0xa9: {  	[sflag:s23] =	ssyncset.done $0x0  }
0xaa: {  	s25 =	simm.s32 $0x1B8E;
	s24 =	sld [smem:$0x3FFE];
	[sflag:s23] =	ssyncadd.s32 $0xFFFFFFFF  }
0xab: {  	s26 =	simm.s32 $execute0_lowered;
	[smem:$0x3FD2] =	sst s25  }
0xac: {  	s8 =	sshll.u32 s26, $0x1;
	_ =	strace $0x80000049;
	[dreg:$0x1] =	wrdreg $0xFFFFFFFF  }
0xad: {  	s28 =	simm.s32 $_size_execute0_lowered;
	s6 =	sadd.s32 s6, s8;
	[dreg:$0x0] =	wrdreg $0x0  }
0xae: {  	s8 =	sshll.u32 s28, $0x1;
	[dreg:$0x2] =	wrdreg s6  }
0xaf: {  	[dreg:$0x3] =	wrdreg s8  }
0xb0: {  	[dreg:$0x4] =	wrdreg $0xC0  }
0xb1: {  	_ =	task [dreg:s10], $0x5FFFF  }
0xb2: {  	[dreg:$0x1] =	wrdreg $0xFFFFFFFF  }
0xb3: {  	[dreg:$0x0] =	wrdreg $0x60  }
0xb4: {  	[dreg:$0x2] =	wrdreg s15  }
0xb5: {  	[dreg:$0x3] =	wrdreg s24  }
0xb6: {  	[dreg:$0x4] =	wrdreg s16  }
0xb7: {  	[dreg:$0x5] =	wrdreg s17  }
0xb8: {  	[dreg:$0x6] =	wrdreg s18  }
0xb9: {  	[dreg:$0x7] =	wrdreg $0x9  }
0xba: {  	_ =	task.clear_ibuf [dreg:s10], $0x8FFFF;
	_ =	strace $0x90000049  }
0xbb: {  	s29 =	simm.s32 $0x9;
	_ =	strace $0x8000004B  }
0xbc: {  	_ =	swait.ge [sflag:s29], $0x1  }
0xbd: {  	[sflag:s29] =	ssyncadd.s32 $0xFFFFFFFF  }
0xbe: {  	_ =	strace $0x9000004B  }
0xbf: {  	_ =	sfence  }
0xc0: {  	s30 =	sld [smem:$0x0];
	_ =	sdelay $0x2  }
0xc1: {  	s31 =	sshll.u32 s1, $0xD;
	s1 =	sshrl.u32 s1, $0x2  }
0xc2: {  	s3 =	sand.u32 $0x4000, s31;
	s1 =	sadd.s32 s1, s30  }
0xc3: {  	s0 =	sor.u32 s3, s0;
	s1 =	sshll.u32 s1, $0x11  }
0xc4: {  	s0 =	sor.u32 s1, s0  }
0xc5: {  	s0 =	sadd.s32 $0x8F2B, s0  }
0xc6: {  	[sflag:s0] =	ssyncadd.remote.s32 $0x1  }
0xc7: {  	_ =	sfence.sel $0xFFFF  }
0xc8: {  	[dreg:$0x0] =	wrdreg $0xFFFFFFFF;
	(pc) =	sbr.abs _section_cstart, $3  }
0xc9: {  	[dreg:$0x1] =	wrdreg $0xFFFFFFFF  }
0xca: {  	_ =	task.clear_ibuf [dreg:s10], $0x2FFFF;
	_ =	strace $0x9FFFFFFF  }
0xcb: {  	(tm) =	ssettm $0x7FFFFFFF  }
tec
execute0_lowered:
.L_overlay_start_1:
0x0: {  	(tag) =	ssettag $0x1  }
0x1: {  	s0 =	rddreg [dreg:$0x0]  }
0x2: {  	s6 =	rddreg [dreg:$0x1]  }
0x3: {  	s1 =	rddreg [dreg:$0x2]  }
0x4: {  	s2 =	rddreg [dreg:$0x3]  }
0x5: {  	s3 =	rddreg [dreg:$0x4];
	s4 =	simm.s32 $0x0;
	s7 =	srdreg.scid  }
0x6: {  	s11 =	stileid.u32;
	s12 =	simm.s32 $0x80;
	s13 =	simm.s32 $0x200  }
0x7: {  	s14 =	simm.s32 $0x280;
	s15 =	simm.s32 $0x100;
	s16 =	simm.s32 $0x300  }
0x8: {  	s17 =	simm.s32 $0x180;
	s18 =	simm.s32 $0x380;
	s19 =	simm.s32 $0x1  }
0x9: {  	s20 =	simm.s32 $0x400;
	s21 =	simm.s32 $0x4400;
	s22 =	simm.s32 $0x8400  }
0xa: {  	s23 =	simm.s32 $0xC400;
	s29 =	simm.s32 $0x16400;
	s30 =	simm.s32 $0x12400  }
0xb: {  	s31 =	simm.s32 $0x17400;
	[smem:$0x7FF] =	sst s4;
	s5 =	sadd.s32 $0x84E00, s6  }
0xc: {  	s9 =	sand.u32 $0x1, s7;
	s7 =	sadd.s32 $0x4E00, s6;
	s8 =	sadd.s32 $0x44E00, s6  }
0xd: {  	s28 =	sshll.u32 s11, $0x7;
	s26 =	ssub.s32 $0x2, s9;
	s9 =	sshll.u32 s9, $0x6  }
0xe: {  	s11 =	simm.s32 $0x2;
	s10 =	sshrl.u32 s26, $0x1;
	s0 =	sadd.s32 s0, s9  }
0xf: {  	_ =	strace $0x8000004A;
	s6 =	ssub.s32 s26, s10;
	s9 =	sadd.s32 s28, s0  }
0x10: {  	s0 =	simm.s32 $0x13400;
	s10 =	smax.u32 s6, $0x1;
	s6 =	simm.s32 $0x0  }
.LBB2_1:
0x11: {  	[tilespmem:s4], [sflag:$0x2] =	stream.linear.gather [hbm4b:s9+s4], $0x200, $0x38;
	[tilespmem:$0x18400] =	vst v63  }
0x12: {  	_ =	swait.ge [sflag:s11], $0x200  }
0x13: {  	[sflag:s11] =	ssyncset.done $0x0  }
0x14: {  	[sflag:s11] =	ssyncadd.s32 $0xFFFFFE00  }
0x15: {  	[tilespmem:s13], [sflag:$0x1] =	stream.indirect.gather [hbm4b:s5+s12], $0x1, s4, s12, $0xb8;
	[tilespmem:$0x18400] =	vst v63  }
0x16: {  	_ = 	snop  }
0x17: {  	[tilespmem:s14], [sflag:$0x1] =	stream.indirect.gather [hbm4b:s5+s12], $0x1, s12, s12, $0xb8;
	[tilespmem:$0x18400] =	vst v63  }
0x18: {  	_ = 	snop  }
0x19: {  	[tilespmem:s16], [sflag:$0x1] =	stream.indirect.gather [hbm4b:s5+s12], $0x1, s15, s12, $0xb8;
	[tilespmem:$0x18400] =	vst v63  }
0x1a: {  	_ = 	snop  }
0x1b: {  	[tilespmem:s18], [sflag:$0x1] =	stream.indirect.gather [hbm4b:s5+s12], $0x1, s17, s12, $0xb8;
	[tilespmem:$0x18400] =	vst v63  }
0x1c: {  	_ =	swait.ge [sflag:s19], $0x80  }
0x1d: {  	[sflag:s19] =	ssyncset.done $0x0  }
0x1e: {  	[sflag:s19] =	ssyncadd.s32 $0xFFFFFF80  }
0x1f: {  	_ =	swait.ge [sflag:s19], $0x80  }
0x20: {  	[sflag:s19] =	ssyncset.done $0x0  }
0x21: {  	[sflag:s19] =	ssyncadd.s32 $0xFFFFFF80  }
0x22: {  	_ =	swait.ge [sflag:s19], $0x80  }
0x23: {  	[sflag:s19] =	ssyncset.done $0x0  }
0x24: {  	[sflag:s19] =	ssyncadd.s32 $0xFFFFFF80  }
0x25: {  	_ =	swait.ge [sflag:s19], $0x80  }
0x26: {  	[sflag:s19] =	ssyncset.done $0x0  }
0x27: {  	[sflag:s19] =	ssyncadd.s32 $0xFFFFFF80  }
0x28: {  	[tilespmem:s20], [sflag:$0x1] =	stream.indirect.gather [hbm4b:s7+s12], $0x80, s13, s12, $0xb8;
	[tilespmem:$0x18400] =	vst v63  }
0x29: {  	_ = 	snop  }
0x2a: {  	[tilespmem:s21], [sflag:$0x1] =	stream.indirect.gather [hbm4b:s7+s12], $0x80, s14, s12, $0xb8;
	[tilespmem:$0x18400] =	vst v63  }
0x2b: {  	_ = 	snop  }
0x2c: {  	[tilespmem:s22], [sflag:$0x1] =	stream.indirect.gather [hbm4b:s7+s12], $0x80, s16, s12, $0xb8;
	[tilespmem:$0x18400] =	vst v63  }
0x2d: {  	_ = 	snop  }
0x2e: {  	[tilespmem:s23], [sflag:$0x1] =	stream.indirect.gather [hbm4b:s7+s12], $0x80, s18, s12, $0xb8;
	[tilespmem:$0x18400] =	vst v63  }
0x2f: {  	_ =	swait.ge [sflag:s19], $0x4000  }
0x30: {  	[sflag:s19] =	ssyncset.done $0x0  }
0x31: {  	[sflag:s19] =	ssyncadd.s32 $0xFFFFC000  }
0x32: {  	_ =	swait.ge [sflag:s19], $0x4000  }
0x33: {  	[sflag:s19] =	ssyncset.done $0x0  }
0x34: {  	[sflag:s19] =	ssyncadd.s32 $0xFFFFC000  }
0x35: {  	_ =	swait.ge [sflag:s19], $0x4000  }
0x36: {  	[sflag:s19] =	ssyncset.done $0x0  }
0x37: {  	[sflag:s19] =	ssyncadd.s32 $0xFFFFC000  }
0x38: {  	_ =	swait.ge [sflag:s19], $0x4000  }
0x39: {  	[sflag:s19] =	ssyncset.done $0x0  }
0x3a: {  	s24 =	simm.s32 $0x420;
	[sflag:s19] =	ssyncadd.s32 $0xFFFFC000  }
0x3b: {  	s25 =	simm.s32 $0x80;
	s26 =	simm.s32 $0x0;
	v0 =	vld [tilespmem:s24+$0xFFFFFFE0]  }
.LBB2_2:
0x3c: {  	p0 =	sne.s32 s25, $0xFF80;
	_ =	sdelay $0x2  }
0x3d: {  	s28 =	sshra.s32 s26, $0x2;
	s26 =	smov.u32 s25  }
0x3e: {  	[tilespmem:s28+$0x10400] =	vst v0  }
0x3f: {  	v0 =	vld [tilespmem:s24+$0x0];
	_ =	sdelay $0x4  }
0x40: {  	[tilespmem:s28+$0x14400] =	vst v0  }
0x41: {  	v0 =	vld [tilespmem:s24+$0xFFFFFFF0];
	_ =	sdelay $0x4  }
0x42: {  	[tilespmem:s28+$0x10410] =	vst v0  }
0x43: {  	v0 =	vld [tilespmem:s24+$0x10];
	_ =	sdelay $0x1  }
.Ltmp0:
0x44: {  	(pc) =	sbr.rel @p0 .LBB2_2-.Ltmp0, $3  }
0x45: {  	_ =	sdelay $0x1  }
0x46: {  	s24 =	sadd.s32 $0x80, s24;
	[tilespmem:s28+$0x14410] =	vst v0  }
0x47: {  	s25 =	sadd.s32 $0x80, s25;
	v0 =	vld [tilespmem:s24+$0xFFFFFFE0]  }
0x48: {  	_ =	sdelay $0x2  }
0x49: {  	s25 =	sshra.s32 s26, $0x2  }
0x4a: {  	[tilespmem:s25+$0x10400] =	vst v0  }
0x4b: {  	v0 =	vld [tilespmem:s24+$0x0];
	_ =	sdelay $0x4  }
0x4c: {  	[tilespmem:s25+$0x14400] =	vst v0  }
0x4d: {  	v0 =	vld [tilespmem:s24+$0xFFFFFFF0];
	_ =	sdelay $0x4  }
0x4e: {  	[tilespmem:s25+$0x10410] =	vst v0  }
0x4f: {  	v0 =	vld [tilespmem:s24+$0x10];
	_ =	sdelay $0x4  }
0x50: {  	[tilespmem:s25+$0x14410] =	vst v0  }
0x51: {  	[tilespmem:s20], [sflag:$0x1] =	stream.indirect.gather [hbm4b:s8+s12], $0x80, s13, s12, $0xb8;
	[tilespmem:$0x18400] =	vst v63  }
0x52: {  	_ = 	snop  }
0x53: {  	[tilespmem:s21], [sflag:$0x1] =	stream.indirect.gather [hbm4b:s8+s12], $0x80, s14, s12, $0xb8;
	[tilespmem:$0x18400] =	vst v63  }
0x54: {  	_ = 	snop  }
0x55: {  	[tilespmem:s22], [sflag:$0x1] =	stream.indirect.gather [hbm4b:s8+s12], $0x80, s16, s12, $0xb8;
	[tilespmem:$0x18400] =	vst v63  }
0x56: {  	_ = 	snop  }
0x57: {  	[tilespmem:s23], [sflag:$0x1] =	stream.indirect.gather [hbm4b:s8+s12], $0x80, s18, s12, $0xb8;
	[tilespmem:$0x18400] =	vst v63  }
0x58: {  	_ =	swait.ge [sflag:s19], $0x4000  }
0x59: {  	[sflag:s19] =	ssyncset.done $0x0  }
0x5a: {  	[sflag:s19] =	ssyncadd.s32 $0xFFFFC000  }
0x5b: {  	_ =	swait.ge [sflag:s19], $0x4000  }
0x5c: {  	[sflag:s19] =	ssyncset.done $0x0  }
0x5d: {  	[sflag:s19] =	ssyncadd.s32 $0xFFFFC000  }
0x5e: {  	_ =	swait.ge [sflag:s19], $0x4000  }
0x5f: {  	[sflag:s19] =	ssyncset.done $0x0  }
0x60: {  	[sflag:s19] =	ssyncadd.s32 $0xFFFFC000  }
0x61: {  	_ =	swait.ge [sflag:s19], $0x4000  }
0x62: {  	[sflag:s19] =	ssyncset.done $0x0  }
0x63: {  	[sflag:s19] =	ssyncadd.s32 $0xFFFFC000  }
0x64: {  	[hbm4b:s1+s12] =	stream.indirect.scatter [tilespmem:s20], [sflag:$0x1], $0x80, s4, s12, $0xb8;
	[tilespmem:$0x18400] =	vst v63  }
0x65: {  	s28 =	simm.s32 $0x14400  }
0x66: {  	[hbm4b:s2+s12] =	stream.indirect.scatter [tilespmem:s28], [sflag:$0x1], $0x20, s4, s12, $0xb8;
	[tilespmem:$0x18400] =	vst v63  }
0x67: {  	s25 =	simm.s32 $0x10400  }
0x68: {  	[hbm4b:s3+s12] =	stream.indirect.scatter [tilespmem:s25], [sflag:$0x1], $0x20, s4, s12, $0xb8;
	[tilespmem:$0x18400] =	vst v63  }
0x69: {  	_ = 	snop  }
0x6a: {  	[hbm4b:s1+s12] =	stream.indirect.scatter [tilespmem:s21], [sflag:$0x1], $0x80, s12, s12, $0xb8;
	[tilespmem:$0x18400] =	vst v63  }
0x6b: {  	s26 =	simm.s32 $0x15400  }
0x6c: {  	[hbm4b:s2+s12] =	stream.indirect.scatter [tilespmem:s26], [sflag:$0x1], $0x20, s12, s12, $0xb8;
	[tilespmem:$0x18400] =	vst v63  }
0x6d: {  	s28 =	simm.s32 $0x11400  }
0x6e: {  	[hbm4b:s3+s12] =	stream.indirect.scatter [tilespmem:s28], [sflag:$0x1], $0x20, s12, s12, $0xb8;
	[tilespmem:$0x18400] =	vst v63  }
0x6f: {  	_ = 	snop  }
0x70: {  	[hbm4b:s1+s12] =	stream.indirect.scatter [tilespmem:s22], [sflag:$0x1], $0x80, s15, s12, $0xb8;
	[tilespmem:$0x18400] =	vst v63  }
0x71: {  	_ = 	snop  }
0x72: {  	[hbm4b:s2+s12] =	stream.indirect.scatter [tilespmem:s29], [sflag:$0x1], $0x20, s15, s12, $0xb8;
	[tilespmem:$0x18400] =	vst v63  }
0x73: {  	_ = 	snop  }
0x74: {  	[hbm4b:s3+s12] =	stream.indirect.scatter [tilespmem:s30], [sflag:$0x1], $0x20, s15, s12, $0xb8;
	[tilespmem:$0x18400] =	vst v63  }
0x75: {  	_ = 	snop  }
0x76: {  	[hbm4b:s1+s12] =	stream.indirect.scatter [tilespmem:s23], [sflag:$0x1], $0x80, s17, s12, $0xb8;
	[tilespmem:$0x18400] =	vst v63  }
0x77: {  	_ = 	snop  }
0x78: {  	[hbm4b:s2+s12] =	stream.indirect.scatter [tilespmem:s31], [sflag:$0x1], $0x20, s17, s12, $0xb8;
	[tilespmem:$0x18400] =	vst v63  }
0x79: {  	_ = 	snop  }
0x7a: {  	[hbm4b:s3+s12] =	stream.indirect.scatter [tilespmem:s0], [sflag:$0x1], $0x20, s17, s12, $0xb8;
	[tilespmem:$0x18400] =	vst v63  }
0x7b: {  	_ =	swait.ge [sflag:s19], $0x4000  }
0x7c: {  	[sflag:s19] =	ssyncset.done $0x0  }
0x7d: {  	[sflag:s19] =	ssyncadd.s32 $0xFFFFC000  }
0x7e: {  	_ =	swait.ge [sflag:s19], $0x1000  }
0x7f: {  	[sflag:s19] =	ssyncset.done $0x0  }
0x80: {  	[sflag:s19] =	ssyncadd.s32 $0xFFFFF000  }
0x81: {  	_ =	swait.ge [sflag:s19], $0x1000  }
0x82: {  	[sflag:s19] =	ssyncset.done $0x0  }
0x83: {  	[sflag:s19] =	ssyncadd.s32 $0xFFFFF000  }
0x84: {  	_ =	swait.ge [sflag:s19], $0x4000  }
0x85: {  	[sflag:s19] =	ssyncset.done $0x0  }
0x86: {  	[sflag:s19] =	ssyncadd.s32 $0xFFFFC000  }
0x87: {  	_ =	swait.ge [sflag:s19], $0x1000  }
0x88: {  	[sflag:s19] =	ssyncset.done $0x0  }
0x89: {  	[sflag:s19] =	ssyncadd.s32 $0xFFFFF000  }
0x8a: {  	_ =	swait.ge [sflag:s19], $0x1000  }
0x8b: {  	[sflag:s19] =	ssyncset.done $0x0  }
0x8c: {  	[sflag:s19] =	ssyncadd.s32 $0xFFFFF000  }
0x8d: {  	_ =	swait.ge [sflag:s19], $0x4000  }
0x8e: {  	[sflag:s19] =	ssyncset.done $0x0  }
0x8f: {  	[sflag:s19] =	ssyncadd.s32 $0xFFFFC000  }
0x90: {  	_ =	swait.ge [sflag:s19], $0x1000  }
0x91: {  	[sflag:s19] =	ssyncset.done $0x0  }
0x92: {  	[sflag:s19] =	ssyncadd.s32 $0xFFFFF000  }
0x93: {  	_ =	swait.ge [sflag:s19], $0x1000  }
0x94: {  	[sflag:s19] =	ssyncset.done $0x0  }
0x95: {  	[sflag:s19] =	ssyncadd.s32 $0xFFFFF000  }
0x96: {  	_ =	swait.ge [sflag:s19], $0x4000  }
0x97: {  	[sflag:s19] =	ssyncset.done $0x0  }
0x98: {  	s6 =	sadd.s32 $0x1, s6;
	[sflag:s19] =	ssyncadd.s32 $0xFFFFC000  }
0x99: {  	p0 =	sne.s32 s6, s10;
	_ =	swait.ge [sflag:s19], $0x1000  }
.Ltmp1:
0x9a: {  	[sflag:s19] =	ssyncset.done $0x0;
	(pc) =	sbr.rel @p0 .LBB2_1-.Ltmp1, $4  }
0x9b: {  	[sflag:s19] =	ssyncadd.s32 $0xFFFFF000  }
0x9c: {  	_ =	swait.ge [sflag:s19], $0x1000  }
0x9d: {  	[sflag:s19] =	ssyncset.done $0x0  }
0x9e: {  	[sflag:s19] =	ssyncadd.s32 $0xFFFFF000  }
0x9f: {  	_ =	sfence.sel $0x180000  }
0xa0: {  	[bflag:$0x0] =	sbarrier.arrive $0xFFFF  }
0xa1: {  	_ =	strace $0x9000004A  }
0xa2: {  	s0 =	stileid.u32;
	[bflag:$0x2] =	sbarrier.arrive $0xFFFF  }
0xa3: {  	p0 =	sne.s32 s0, $0x0;
	s0 =	rddreg [dreg:$0x5]  }
0xa4: {  	s0 =	sadd.s32 @!p0 $0x100000, s0  }
0xa5: {  	[sflag:s0] =	ssyncadd.tile.s32 @!p0 $0x1;
	_ =	shalt  }
.Lfunc_end2:
_tile_overlayer_lowered:
.L_overlay_start_2:
0xa6: {  	(tag) =	ssettag $0x2  }
0xa7: {  	s0 =	rddreg [dreg:$0x0];
	s2 =	stileid.u32  }
0xa8: {  	s1 =	rddreg [dreg:$0x1];
	p0 =	sne.s32 s2, $0x0  }
0xa9: {  	s3 =	rddreg [dreg:$0x2];
	[bflag:$0x3] =	sbarrier.arrive $0xFFFF;
	s2 =	simm.s32 @!p0 $0x1C02  }
0xaa: {  	[timem:s3], [sflag:s2] =	dma.local @!p0 [hbm:s0], s1  }
0xab: {  	s0 =	simm.s32 @!p0 $0x2  }
0xac: {  	_ =	swait.ge @!p0 [sflag:s0], s1  }
0xad: {  	s1 =	ssub.s32 @!p0 $0x0, s1;
	[sflag:s0] =	ssyncset.done @!p0 $0x0  }
0xae: {  	[sflag:s0] =	ssyncadd.s32 @!p0 s1  }
0xaf: {  	[bflag:$0x3] =	sbarrier.arrive $0xFFFF  }
0xb0: {  	_ =	shalt  }

</sc_bundles>
